<compile_context>
chip_gen: v7x
topology: tpu7x:2x2x1
jax: 0.10.2.dev20260603
libtpu: 0.0.44.dev20260713+nightly
codegen_flags: <defaults>
</compile_context>

<pallas_src>
import jax
import jax.numpy as jnp
from jax import lax
from jax.experimental import pallas as pl
from jax.experimental.pallas import tpu as pltpu
from jax.experimental.pallas import tpu_sc as plsc

BATCH = 16384
D = 128
NUM_LAYERS = 4

_NC = 2
_NS = 16
_NW = _NC * _NS
_CHUNK = 128

_NSPLIT = 2
_PART = BATCH // _NSPLIT


def _make_gather(batch, id_chunk_off):
    rows_per_w = batch // _NW
    nchunk = rows_per_w // _CHUNK
    ntot = 2 * nchunk
    nbuf = min(4, ntot)

    inflight = min(nbuf, ntot)

    def body(uid_hbm, iid_hbm, utab_hbm, itab_hbm, u_out, i_out,
             idx_v, rows_v, *sems):
        gsem, wsem = sems[:nbuf], sems[nbuf:]
        isem = sems[2 * nbuf]
        wid = lax.axis_index("s") * _NC + lax.axis_index("c")
        base = wid * rows_per_w
        c1 = pltpu.async_copy(
            uid_hbm.at[pl.ds(id_chunk_off + wid * nchunk, nchunk)],
            idx_v.at[pl.ds(0, nchunk)], isem)
        c2 = pltpu.async_copy(
            iid_hbm.at[pl.ds(id_chunk_off + wid * nchunk, nchunk)],
            idx_v.at[pl.ds(nchunk, nchunk)], isem)
        c1.wait()
        c2.wait()

        def gather(k, b):
            tab = utab_hbm if k < nchunk else itab_hbm
            return pltpu.async_copy(tab.at[idx_v.at[k]], rows_v.at[b],
                                    gsem[b])

        def wback(k, b):
            out = u_out if k < nchunk else i_out
            off = base + (k % nchunk) * _CHUNK
            return pltpu.async_copy(rows_v.at[b],
                                    out.at[pl.ds(off, _CHUNK)], wsem[b])

        g = [None] * ntot
        w = [None] * ntot
        for k in range(inflight):
            g[k] = gather(k, k % nbuf)
        for k in range(ntot):
            nk = k + inflight
            if nk < ntot:
                if nk >= nbuf:
                    w[nk - nbuf].wait()
                g[nk] = gather(nk, nk % nbuf)
            g[k].wait()
            w[k] = wback(k, k % nbuf)
        for k in range(max(0, ntot - nbuf), ntot):
            w[k].wait()

    mesh = plsc.VectorSubcoreMesh(core_axis_name="c", subcore_axis_name="s")
    return pl.kernel(
        body, mesh=mesh,
        out_type=[jax.ShapeDtypeStruct((batch, D), jnp.float32),
                  jax.ShapeDtypeStruct((batch, D), jnp.float32)],
        scratch_types=[
            pltpu.VMEM((ntot, _CHUNK), jnp.int32),
            pltpu.VMEM((nbuf, _CHUNK, D), jnp.float32),
        ] + [pltpu.SemaphoreType.DMA] * (2 * nbuf + 1),
    )


def _sc_gather_part(uid2, iid2, user_table, item_table, part):
    fn = _make_gather(_PART, part * (_PART // _CHUNK))
    return fn(uid2, iid2, user_table, item_table)


_BB = 4096


def _mlp_body(u_ref, i_ref, wut_ref, bu_ref, wit_ref, bi_ref,
              r_ref, uo_ref, io_ref):
    wut = wut_ref[...]
    bu = bu_ref[...]
    u = u_ref[...]
    for _ in range(NUM_LAYERS):
        u = jnp.maximum(
            lax.dot_general(u, wut, (((1,), (0,)), ((), ())),
                            preferred_element_type=jnp.float32) + bu, 0.0)
    wit = wit_ref[...]
    bi = bi_ref[...]
    it = i_ref[...]
    for _ in range(NUM_LAYERS):
        it = jnp.maximum(
            lax.dot_general(it, wit, (((1,), (0,)), ((), ())),
                            preferred_element_type=jnp.float32) + bi, 0.0)
    uo_ref[...] = u
    io_ref[...] = it
    p = u * it
    ones_row = jnp.ones((1, D), jnp.float32)
    rows = []
    for g in range(_BB // D):
        pg = lax.slice(p, (g * D, 0), ((g + 1) * D, D))
        rows.append(lax.dot_general(ones_row, pg, (((1,), (1,)), ((), ())),
                                    preferred_element_type=jnp.float32))
    r_ref[...] = jnp.maximum(jnp.concatenate(rows, axis=0), 0.0)


def _mlp_body_aliased(u_ref, i_ref, wut_ref, bu_ref, wit_ref, bi_ref,
                      pr_ref, pu_ref, pi_ref, r_ref, uo_ref, io_ref):
    del pr_ref, pu_ref, pi_ref
    _mlp_body(u_ref, i_ref, wut_ref, bu_ref, wit_ref, bi_ref,
              r_ref, uo_ref, io_ref)


def _tc_mlp_part(u_rows, i_rows, WuT, bu, WiT, bi, part, prev=None):
    grid = _PART // _BB
    off = part * grid
    in_specs = [
        pl.BlockSpec((_BB, D), lambda b: (b, 0)),
        pl.BlockSpec((_BB, D), lambda b: (b, 0)),
        pl.BlockSpec((D, D), lambda b: (0, 0)),
        pl.BlockSpec((1, D), lambda b: (0, 0)),
        pl.BlockSpec((D, D), lambda b: (0, 0)),
        pl.BlockSpec((1, D), lambda b: (0, 0)),
    ]
    out_specs = [
        pl.BlockSpec((_BB // D, D), lambda b: (b + off, 0)),
        pl.BlockSpec((_BB, D), lambda b: (b + off, 0)),
        pl.BlockSpec((_BB, D), lambda b: (b + off, 0)),
    ]
    out_shape = [
        jax.ShapeDtypeStruct((BATCH // D, D), jnp.float32),
        jax.ShapeDtypeStruct((BATCH, D), jnp.float32),
        jax.ShapeDtypeStruct((BATCH, D), jnp.float32),
    ]
    args = [u_rows, i_rows, WuT, bu.reshape(1, D), WiT, bi.reshape(1, D)]
    if prev is None:
        body = _mlp_body
        aliases = {}
    else:
        body = _mlp_body_aliased
        in_specs = in_specs + [pl.BlockSpec(memory_space=pl.ANY)] * 3
        args = args + list(prev)
        aliases = {6: 0, 7: 1, 8: 2}
    return pl.pallas_call(
        body,
        grid=(grid,),
        in_specs=in_specs,
        out_specs=out_specs,
        out_shape=out_shape,
        input_output_aliases=aliases,
    )(*args)


def kernel(user_ids, item_ids, user_table, item_table, Wu, bu, Wi, bi):
    WuT, WiT = Wu.T, Wi.T
    uid2 = user_ids.reshape(BATCH // _CHUNK, _CHUNK)
    iid2 = item_ids.reshape(BATCH // _CHUNK, _CHUNK)
    gathered = [_sc_gather_part(uid2, iid2, user_table, item_table, q)
                for q in range(_NSPLIT)]
    outs = None
    for q in range(_NSPLIT):
        uq, iq = gathered[q]
        outs = _tc_mlp_part(uq, iq, WuT, bu, WiT, bi, part=q, prev=outs)
    r2, users_latent, items_latent = outs
    return (r2.reshape(BATCH), users_latent, items_latent)

# --- scband reference (transcript-rebuilt; emitter-appended) ---
"""Pipeline reference for scband-matrix-factorization-32624571580511 (READ-ONLY COPY).

The authoritative reference and input builder live on the scoring server;
editing this copy changes nothing except your own understanding.
"""

import jax, jax.numpy as jnp
import numpy as np

NUM_USERS = 100000
NUM_ITEMS = 1000000
NUM_LATENT = 128
NUM_LAYERS = 4
BATCH = 16384


def setup_inputs(seed: int = 0) -> dict:
    key = jax.random.key(seed)
    ks = jax.random.split(key, 8)
    user_ids = jax.random.randint(ks[0], (BATCH,), 0, NUM_USERS, dtype=jnp.int32)
    item_ids = jax.random.randint(ks[1], (BATCH,), 0, NUM_ITEMS, dtype=jnp.int32)
    user_table = 0.1 * jax.random.normal(ks[2], (NUM_USERS, NUM_LATENT), dtype=jnp.float32)
    item_table = 0.1 * jax.random.normal(ks[3], (NUM_ITEMS, NUM_LATENT), dtype=jnp.float32)
    Wu = jax.random.normal(ks[4], (NUM_LATENT, NUM_LATENT), dtype=jnp.float32) * (1.0 / np.sqrt(NUM_LATENT))
    bu = jnp.zeros((NUM_LATENT,), dtype=jnp.float32)
    Wi = jax.random.normal(ks[5], (NUM_LATENT, NUM_LATENT), dtype=jnp.float32) * (1.0 / np.sqrt(NUM_LATENT))
    bi = jnp.zeros((NUM_LATENT,), dtype=jnp.float32)
    return {"user_ids": user_ids, "item_ids": item_ids, "user_table": user_table,
            "item_table": item_table, "Wu": Wu, "bu": bu, "Wi": Wi, "bi": bi}


def reference(user_ids, item_ids, user_table, item_table, Wu, bu, Wi, bi):
    # users_latent = user embedding lookup
    users_latent = jnp.take(user_table, user_ids, axis=0)
    # same single Linear (u_net) applied num_layers times, relu after each
    for _ in range(NUM_LAYERS):
        users_latent = jax.nn.relu(users_latent @ Wu.T + bu)
    items_latent = jnp.take(item_table, item_ids, axis=0)
    for _ in range(NUM_LAYERS):
        items_latent = jax.nn.relu(items_latent @ Wi.T + bi)
    ratings = jnp.sum(users_latent * items_latent, axis=1)
    return (jax.nn.relu(ratings), users_latent, items_latent)

if __name__ == "__main__":
    import jax
    _d = setup_inputs()
    print(jax.jit(kernel)(*tuple(_d.values())))

</pallas_src>

<mosaic_0001>
#map = affine_map<(d0, d1) -> (0, 0)>
module attributes {stable_mosaic.version = 14 : i64} {
  func.func @body(%arg0: i32, %arg1: i32, %arg2: memref<128x128xi32, #tpu.memory_space<hbm>>, %arg3: memref<128x128xi32, #tpu.memory_space<hbm>>, %arg4: memref<100000x128xf32, #tpu.memory_space<hbm>>, %arg5: memref<1000000x128xf32, #tpu.memory_space<hbm>>, %arg6: memref<8192x128xf32, #tpu.memory_space<hbm>>, %arg7: memref<8192x128xf32, #tpu.memory_space<hbm>>, %arg8: memref<4x128xi32, #tpu.memory_space<vmem>>, %arg9: memref<4x128x128xf32, #tpu.memory_space<vmem>>, %arg10: memref<!tpu.dma_semaphore, #tpu.memory_space<semaphore_mem>>, %arg11: memref<!tpu.dma_semaphore, #tpu.memory_space<semaphore_mem>>, %arg12: memref<!tpu.dma_semaphore, #tpu.memory_space<semaphore_mem>>, %arg13: memref<!tpu.dma_semaphore, #tpu.memory_space<semaphore_mem>>, %arg14: memref<!tpu.dma_semaphore, #tpu.memory_space<semaphore_mem>>, %arg15: memref<!tpu.dma_semaphore, #tpu.memory_space<semaphore_mem>>, %arg16: memref<!tpu.dma_semaphore, #tpu.memory_space<semaphore_mem>>, %arg17: memref<!tpu.dma_semaphore, #tpu.memory_space<semaphore_mem>>, %arg18: memref<!tpu.dma_semaphore, #tpu.memory_space<semaphore_mem>>) attributes {dimension_semantics = [#tpu.dimension_semantics<core_parallel>, #tpu.dimension_semantics<subcore_parallel>], iteration_bounds = array<i64: 2, 16>, scalar_prefetch = 0 : i64, scratch_operands = 11 : i64, tpu.core_type = #tpu.core_type<sc_vector_subcore>, window_params = [{transform_indices = #map}, {transform_indices = #map}, {transform_indices = #map}, {transform_indices = #map}, {transform_indices = #map}, {transform_indices = #map}]} {
    %mul3A = arith.constant 2 : i32
    %mul3A_0 = arith.muli %arg1, %mul3A : i32
    %add3A = arith.addi %mul3A_0, %arg0 : i32
    %mul3A_1 = arith.constant 256 : i32
    %mul3A_2 = arith.muli %add3A, %mul3A_1 : i32
    %mul3A_3 = arith.constant 2 : i32
    %mul3A_4 = arith.muli %add3A, %mul3A_3 : i32
    %add3A_5 = arith.constant 0 : i32
    %add3A_6 = arith.addi %add3A_5, %mul3A_4 : i32
    %dma_start3A = arith.constant 0 : i32
    %dma_start3A_7 = arith.constant 0 : i32
    %dma_start3A_8 = tpu.memref_slice %arg8[%dma_start3A, %dma_start3A_7] : memref<4x128xi32, #tpu.memory_space<vmem>> -> memref<2x128xi32, #tpu.memory_space<vmem>>
    %dma_start3A_9 = arith.constant 0 : i32
    %dma_start3A_10 = tpu.memref_slice %arg2[%add3A_6, %dma_start3A_9] : memref<128x128xi32, #tpu.memory_space<hbm>> -> memref<2x128xi32, #tpu.memory_space<hbm>>
    %dma_start3A_11 = arith.constant 0 : i32
    %dma_start3A_12 = arith.constant 0 : i32
    %dma_start3A_13 = tpu.memref_slice %arg8[%dma_start3A_11, %dma_start3A_12] : memref<4x128xi32, #tpu.memory_space<vmem>> -> memref<2x128xi32, #tpu.memory_space<vmem>>
    %dma_start3A_14 = arith.constant 0 : i32
    %dma_start3A_15 = tpu.memref_slice %arg2[%add3A_6, %dma_start3A_14] : memref<128x128xi32, #tpu.memory_space<hbm>> -> memref<2x128xi32, #tpu.memory_space<hbm>>
    tpu.enqueue_dma source(%dma_start3A_15 : memref<2x128xi32, #tpu.memory_space<hbm>>) target(%dma_start3A_13 : memref<2x128xi32, #tpu.memory_space<vmem>>) target_semaphore(%arg18 : memref<!tpu.dma_semaphore, #tpu.memory_space<semaphore_mem>>)
    %mul3A_16 = arith.constant 2 : i32
    %mul3A_17 = arith.muli %add3A, %mul3A_16 : i32
    %add3A_18 = arith.constant 0 : i32
    %add3A_19 = arith.addi %add3A_18, %mul3A_17 : i32
    %dma_start3A_20 = arith.constant 2 : i32
    %dma_start3A_21 = arith.constant 0 : i32
    %dma_start3A_22 = tpu.memref_slice %arg8[%dma_start3A_20, %dma_start3A_21] : memref<4x128xi32, #tpu.memory_space<vmem>> -> memref<2x128xi32, #tpu.memory_space<vmem>>
    %dma_start3A_23 = arith.constant 0 : i32
    %dma_start3A_24 = tpu.memref_slice %arg3[%add3A_19, %dma_start3A_23] : memref<128x128xi32, #tpu.memory_space<hbm>> -> memref<2x128xi32, #tpu.memory_space<hbm>>
    %dma_start3A_25 = arith.constant 2 : i32
    %dma_start3A_26 = arith.constant 0 : i32
    %dma_start3A_27 = tpu.memref_slice %arg8[%dma_start3A_25, %dma_start3A_26] : memref<4x128xi32, #tpu.memory_space<vmem>> -> memref<2x128xi32, #tpu.memory_space<vmem>>
    %dma_start3A_28 = arith.constant 0 : i32
    %dma_start3A_29 = tpu.memref_slice %arg3[%add3A_19, %dma_start3A_28] : memref<128x128xi32, #tpu.memory_space<hbm>> -> memref<2x128xi32, #tpu.memory_space<hbm>>
    tpu.enqueue_dma source(%dma_start3A_29 : memref<2x128xi32, #tpu.memory_space<hbm>>) target(%dma_start3A_27 : memref<2x128xi32, #tpu.memory_space<vmem>>) target_semaphore(%arg18 : memref<!tpu.dma_semaphore, #tpu.memory_space<semaphore_mem>>)
    %dma_wait3A = arith.constant 0 : i32
    %dma_wait3A_30 = arith.constant 0 : i32
    %dma_wait3A_31 = tpu.memref_slice %arg8[%dma_wait3A, %dma_wait3A_30] : memref<4x128xi32, #tpu.memory_space<vmem>> -> memref<2x128xi32, #tpu.memory_space<vmem>>
    %dma_wait3A_32 = arith.constant 0 : i32
    %dma_wait3A_33 = tpu.memref_slice %arg2[%add3A_6, %dma_wait3A_32] : memref<128x128xi32, #tpu.memory_space<hbm>> -> memref<2x128xi32, #tpu.memory_space<hbm>>
    %dma_wait3A_34 = arith.constant 0 : i32
    %dma_wait3A_35 = arith.constant 0 : i32
    %dma_wait3A_36 = tpu.memref_slice %arg8[%dma_wait3A_34, %dma_wait3A_35] : memref<4x128xi32, #tpu.memory_space<vmem>> -> memref<2x128xi32, #tpu.memory_space<vmem>>
    %dma_wait3A_37 = arith.constant 0 : i32
    %dma_wait3A_38 = tpu.memref_slice %arg2[%add3A_6, %dma_wait3A_37] : memref<128x128xi32, #tpu.memory_space<hbm>> -> memref<2x128xi32, #tpu.memory_space<hbm>>
    tpu.wait_dma2 semaphore(%arg18 : memref<!tpu.dma_semaphore, #tpu.memory_space<semaphore_mem>>) src(%dma_wait3A_38 : memref<2x128xi32, #tpu.memory_space<hbm>>) dst(%dma_wait3A_36 : memref<2x128xi32, #tpu.memory_space<vmem>>)
    %dma_wait3A_39 = arith.constant 2 : i32
    %dma_wait3A_40 = arith.constant 0 : i32
    %dma_wait3A_41 = tpu.memref_slice %arg8[%dma_wait3A_39, %dma_wait3A_40] : memref<4x128xi32, #tpu.memory_space<vmem>> -> memref<2x128xi32, #tpu.memory_space<vmem>>
    %dma_wait3A_42 = arith.constant 0 : i32
    %dma_wait3A_43 = tpu.memref_slice %arg3[%add3A_19, %dma_wait3A_42] : memref<128x128xi32, #tpu.memory_space<hbm>> -> memref<2x128xi32, #tpu.memory_space<hbm>>
    %dma_wait3A_44 = arith.constant 2 : i32
    %dma_wait3A_45 = arith.constant 0 : i32
    %dma_wait3A_46 = tpu.memref_slice %arg8[%dma_wait3A_44, %dma_wait3A_45] : memref<4x128xi32, #tpu.memory_space<vmem>> -> memref<2x128xi32, #tpu.memory_space<vmem>>
    %dma_wait3A_47 = arith.constant 0 : i32
    %dma_wait3A_48 = tpu.memref_slice %arg3[%add3A_19, %dma_wait3A_47] : memref<128x128xi32, #tpu.memory_space<hbm>> -> memref<2x128xi32, #tpu.memory_space<hbm>>
    tpu.wait_dma2 semaphore(%arg18 : memref<!tpu.dma_semaphore, #tpu.memory_space<semaphore_mem>>) src(%dma_wait3A_48 : memref<2x128xi32, #tpu.memory_space<hbm>>) dst(%dma_wait3A_46 : memref<2x128xi32, #tpu.memory_space<vmem>>)
    %dma_start3A_49 = arith.constant 0 : i32
    %dma_start3A_50 = arith.constant 0 : i32
    %dma_start3A_51 = arith.constant 0 : i32
    %dma_start3A_52 = arith.constant 0 : i32
    %dma_start3A_53 = tpu.memref_slice %arg9[%dma_start3A_50, %dma_start3A_51, %dma_start3A_52] : memref<4x128x128xf32, #tpu.memory_space<vmem>> -> memref<1x128x128xf32, #tpu.memory_space<vmem>>
    %dma_start3A_54 = tpu.memref_squeeze %dma_start3A_53 : memref<1x128x128xf32, #tpu.memory_space<vmem>> -> memref<128x128xf32, #tpu.memory_space<vmem>>
    %dma_start3A_55 = arith.constant 0 : i32
    %dma_start3A_56 = tpu.memref_slice %arg8[%dma_start3A_49, %dma_start3A_55] : memref<4x128xi32, #tpu.memory_space<vmem>> -> memref<1x128xi32, #tpu.memory_space<vmem>>
    %dma_start3A_57 = tpu.memref_squeeze %dma_start3A_56 : memref<1x128xi32, #tpu.memory_space<vmem>> -> memref<128xi32, #tpu.memory_space<vmem>>
    %dma_start3A_58 = arith.constant 0 : i32
    %dma_start3A_59 = arith.constant 0 : i32
    %dma_start3A_60 = tpu.memref_slice %arg4[%dma_start3A_58, %dma_start3A_59] : memref<100000x128xf32, #tpu.memory_space<hbm>> -> memref<100000x128xf32, #tpu.memory_space<hbm>>
    tpu.enqueue_indirect_dma source(%dma_start3A_60 : memref<100000x128xf32, #tpu.memory_space<hbm>>) target(%dma_start3A_54 : memref<128x128xf32, #tpu.memory_space<vmem>>) offsets(%dma_start3A_57 : memref<128xi32, #tpu.memory_space<vmem>>) semaphore(%arg10 : memref<!tpu.dma_semaphore, #tpu.memory_space<semaphore_mem>>)
    %dma_start3A_61 = arith.constant 1 : i32
    %dma_start3A_62 = arith.constant 1 : i32
    %dma_start3A_63 = arith.constant 0 : i32
    %dma_start3A_64 = arith.constant 0 : i32
    %dma_start3A_65 = tpu.memref_slice %arg9[%dma_start3A_62, %dma_start3A_63, %dma_start3A_64] : memref<4x128x128xf32, #tpu.memory_space<vmem>> -> memref<1x128x128xf32, #tpu.memory_space<vmem>>
    %dma_start3A_66 = tpu.memref_squeeze %dma_start3A_65 : memref<1x128x128xf32, #tpu.memory_space<vmem>> -> memref<128x128xf32, #tpu.memory_space<vmem>>
    %dma_start3A_67 = arith.constant 0 : i32
    %dma_start3A_68 = tpu.memref_slice %arg8[%dma_start3A_61, %dma_start3A_67] : memref<4x128xi32, #tpu.memory_space<vmem>> -> memref<1x128xi32, #tpu.memory_space<vmem>>
    %dma_start3A_69 = tpu.memref_squeeze %dma_start3A_68 : memref<1x128xi32, #tpu.memory_space<vmem>> -> memref<128xi32, #tpu.memory_space<vmem>>
    %dma_start3A_70 = arith.constant 0 : i32
    %dma_start3A_71 = arith.constant 0 : i32
    %dma_start3A_72 = tpu.memref_slice %arg4[%dma_start3A_70, %dma_start3A_71] : memref<100000x128xf32, #tpu.memory_space<hbm>> -> memref<100000x128xf32, #tpu.memory_space<hbm>>
    tpu.enqueue_indirect_dma source(%dma_start3A_72 : memref<100000x128xf32, #tpu.memory_space<hbm>>) target(%dma_start3A_66 : memref<128x128xf32, #tpu.memory_space<vmem>>) offsets(%dma_start3A_69 : memref<128xi32, #tpu.memory_space<vmem>>) semaphore(%arg11 : memref<!tpu.dma_semaphore, #tpu.memory_space<semaphore_mem>>)
    %dma_start3A_73 = arith.constant 2 : i32
    %dma_start3A_74 = arith.constant 2 : i32
    %dma_start3A_75 = arith.constant 0 : i32
    %dma_start3A_76 = arith.constant 0 : i32
    %dma_start3A_77 = tpu.memref_slice %arg9[%dma_start3A_74, %dma_start3A_75, %dma_start3A_76] : memref<4x128x128xf32, #tpu.memory_space<vmem>> -> memref<1x128x128xf32, #tpu.memory_space<vmem>>
    %dma_start3A_78 = tpu.memref_squeeze %dma_start3A_77 : memref<1x128x128xf32, #tpu.memory_space<vmem>> -> memref<128x128xf32, #tpu.memory_space<vmem>>
    %dma_start3A_79 = arith.constant 0 : i32
    %dma_start3A_80 = tpu.memref_slice %arg8[%dma_start3A_73, %dma_start3A_79] : memref<4x128xi32, #tpu.memory_space<vmem>> -> memref<1x128xi32, #tpu.memory_space<vmem>>
    %dma_start3A_81 = tpu.memref_squeeze %dma_start3A_80 : memref<1x128xi32, #tpu.memory_space<vmem>> -> memref<128xi32, #tpu.memory_space<vmem>>
    %dma_start3A_82 = arith.constant 0 : i32
    %dma_start3A_83 = arith.constant 0 : i32
    %dma_start3A_84 = tpu.memref_slice %arg5[%dma_start3A_82, %dma_start3A_83] : memref<1000000x128xf32, #tpu.memory_space<hbm>> -> memref<1000000x128xf32, #tpu.memory_space<hbm>>
    tpu.enqueue_indirect_dma source(%dma_start3A_84 : memref<1000000x128xf32, #tpu.memory_space<hbm>>) target(%dma_start3A_78 : memref<128x128xf32, #tpu.memory_space<vmem>>) offsets(%dma_start3A_81 : memref<128xi32, #tpu.memory_space<vmem>>) semaphore(%arg12 : memref<!tpu.dma_semaphore, #tpu.memory_space<semaphore_mem>>)
    %dma_start3A_85 = arith.constant 3 : i32
    %dma_start3A_86 = arith.constant 3 : i32
    %dma_start3A_87 = arith.constant 0 : i32
    %dma_start3A_88 = arith.constant 0 : i32
    %dma_start3A_89 = tpu.memref_slice %arg9[%dma_start3A_86, %dma_start3A_87, %dma_start3A_88] : memref<4x128x128xf32, #tpu.memory_space<vmem>> -> memref<1x128x128xf32, #tpu.memory_space<vmem>>
    %dma_start3A_90 = tpu.memref_squeeze %dma_start3A_89 : memref<1x128x128xf32, #tpu.memory_space<vmem>> -> memref<128x128xf32, #tpu.memory_space<vmem>>
    %dma_start3A_91 = arith.constant 0 : i32
    %dma_start3A_92 = tpu.memref_slice %arg8[%dma_start3A_85, %dma_start3A_91] : memref<4x128xi32, #tpu.memory_space<vmem>> -> memref<1x128xi32, #tpu.memory_space<vmem>>
    %dma_start3A_93 = tpu.memref_squeeze %dma_start3A_92 : memref<1x128xi32, #tpu.memory_space<vmem>> -> memref<128xi32, #tpu.memory_space<vmem>>
    %dma_start3A_94 = arith.constant 0 : i32
    %dma_start3A_95 = arith.constant 0 : i32
    %dma_start3A_96 = tpu.memref_slice %arg5[%dma_start3A_94, %dma_start3A_95] : memref<1000000x128xf32, #tpu.memory_space<hbm>> -> memref<1000000x128xf32, #tpu.memory_space<hbm>>
    tpu.enqueue_indirect_dma source(%dma_start3A_96 : memref<1000000x128xf32, #tpu.memory_space<hbm>>) target(%dma_start3A_90 : memref<128x128xf32, #tpu.memory_space<vmem>>) offsets(%dma_start3A_93 : memref<128xi32, #tpu.memory_space<vmem>>) semaphore(%arg13 : memref<!tpu.dma_semaphore, #tpu.memory_space<semaphore_mem>>)
    %dma_wait3A_97 = arith.constant 0 : i32
    %dma_wait3A_98 = arith.constant 0 : i32
    %dma_wait3A_99 = arith.constant 0 : i32
    %dma_wait3A_100 = arith.constant 0 : i32
    %dma_wait3A_101 = tpu.memref_slice %arg9[%dma_wait3A_98, %dma_wait3A_99, %dma_wait3A_100] : memref<4x128x128xf32, #tpu.memory_space<vmem>> -> memref<1x128x128xf32, #tpu.memory_space<vmem>>
    %dma_wait3A_102 = tpu.memref_squeeze %dma_wait3A_101 : memref<1x128x128xf32, #tpu.memory_space<vmem>> -> memref<128x128xf32, #tpu.memory_space<vmem>>
    %dma_wait3A_103 = arith.constant 0 : i32
    %dma_wait3A_104 = tpu.memref_slice %arg8[%dma_wait3A_97, %dma_wait3A_103] : memref<4x128xi32, #tpu.memory_space<vmem>> -> memref<1x128xi32, #tpu.memory_space<vmem>>
    %dma_wait3A_105 = tpu.memref_squeeze %dma_wait3A_104 : memref<1x128xi32, #tpu.memory_space<vmem>> -> memref<128xi32, #tpu.memory_space<vmem>>
    %dma_wait3A_106 = arith.constant 0 : i32
    %dma_wait3A_107 = arith.constant 0 : i32
    %dma_wait3A_108 = tpu.memref_slice %arg4[%dma_wait3A_106, %dma_wait3A_107] : memref<100000x128xf32, #tpu.memory_space<hbm>> -> memref<100000x128xf32, #tpu.memory_space<hbm>>
    tpu.wait_indirect_dma semaphore(%arg10 : memref<!tpu.dma_semaphore, #tpu.memory_space<semaphore_mem>>) src(%dma_wait3A_108 : memref<100000x128xf32, #tpu.memory_space<hbm>>) dst(%dma_wait3A_102 : memref<128x128xf32, #tpu.memory_space<vmem>>)
    %add3A_109 = arith.constant 0 : i32
    %add3A_110 = arith.addi %mul3A_2, %add3A_109 : i32
    %dma_start3A_111 = arith.constant 0 : i32
    %dma_start3A_112 = arith.constant 0 : i32
    %dma_start3A_113 = arith.constant 0 : i32
    %dma_start3A_114 = tpu.memref_slice %arg9[%dma_start3A_111, %dma_start3A_112, %dma_start3A_113] : memref<4x128x128xf32, #tpu.memory_space<vmem>> -> memref<1x128x128xf32, #tpu.memory_space<vmem>>
    %dma_start3A_115 = tpu.memref_squeeze %dma_start3A_114 : memref<1x128x128xf32, #tpu.memory_space<vmem>> -> memref<128x128xf32, #tpu.memory_space<vmem>>
    %dma_start3A_116 = arith.constant 0 : i32
    %dma_start3A_117 = tpu.memref_slice %arg6[%add3A_110, %dma_start3A_116] : memref<8192x128xf32, #tpu.memory_space<hbm>> -> memref<128x128xf32, #tpu.memory_space<hbm>>
    %dma_start3A_118 = arith.constant 0 : i32
    %dma_start3A_119 = tpu.memref_slice %arg6[%add3A_110, %dma_start3A_118] : memref<8192x128xf32, #tpu.memory_space<hbm>> -> memref<128x128xf32, #tpu.memory_space<hbm>>
    %dma_start3A_120 = arith.constant 0 : i32
    %dma_start3A_121 = arith.constant 0 : i32
    %dma_start3A_122 = tpu.memref_slice %arg9[%dma_start3A_111, %dma_start3A_120, %dma_start3A_121] : memref<4x128x128xf32, #tpu.memory_space<vmem>> -> memref<1x128x128xf32, #tpu.memory_space<vmem>>
    %dma_start3A_123 = tpu.memref_squeeze %dma_start3A_122 : memref<1x128x128xf32, #tpu.memory_space<vmem>> -> memref<128x128xf32, #tpu.memory_space<vmem>>
    tpu.enqueue_dma source(%dma_start3A_123 : memref<128x128xf32, #tpu.memory_space<vmem>>) target(%dma_start3A_119 : memref<128x128xf32, #tpu.memory_space<hbm>>) target_semaphore(%arg14 : memref<!tpu.dma_semaphore, #tpu.memory_space<semaphore_mem>>)
    %dma_wait3A_124 = arith.constant 1 : i32
    %dma_wait3A_125 = arith.constant 1 : i32
    %dma_wait3A_126 = arith.constant 0 : i32
    %dma_wait3A_127 = arith.constant 0 : i32
    %dma_wait3A_128 = tpu.memref_slice %arg9[%dma_wait3A_125, %dma_wait3A_126, %dma_wait3A_127] : memref<4x128x128xf32, #tpu.memory_space<vmem>> -> memref<1x128x128xf32, #tpu.memory_space<vmem>>
    %dma_wait3A_129 = tpu.memref_squeeze %dma_wait3A_128 : memref<1x128x128xf32, #tpu.memory_space<vmem>> -> memref<128x128xf32, #tpu.memory_space<vmem>>
    %dma_wait3A_130 = arith.constant 0 : i32
    %dma_wait3A_131 = tpu.memref_slice %arg8[%dma_wait3A_124, %dma_wait3A_130] : memref<4x128xi32, #tpu.memory_space<vmem>> -> memref<1x128xi32, #tpu.memory_space<vmem>>
    %dma_wait3A_132 = tpu.memref_squeeze %dma_wait3A_131 : memref<1x128xi32, #tpu.memory_space<vmem>> -> memref<128xi32, #tpu.memory_space<vmem>>
    %dma_wait3A_133 = arith.constant 0 : i32
    %dma_wait3A_134 = arith.constant 0 : i32
    %dma_wait3A_135 = tpu.memref_slice %arg4[%dma_wait3A_133, %dma_wait3A_134] : memref<100000x128xf32, #tpu.memory_space<hbm>> -> memref<100000x128xf32, #tpu.memory_space<hbm>>
    tpu.wait_indirect_dma semaphore(%arg11 : memref<!tpu.dma_semaphore, #tpu.memory_space<semaphore_mem>>) src(%dma_wait3A_135 : memref<100000x128xf32, #tpu.memory_space<hbm>>) dst(%dma_wait3A_129 : memref<128x128xf32, #tpu.memory_space<vmem>>)
    %add3A_136 = arith.constant 128 : i32
    %add3A_137 = arith.addi %mul3A_2, %add3A_136 : i32
    %dma_start3A_138 = arith.constant 1 : i32
    %dma_start3A_139 = arith.constant 0 : i32
    %dma_start3A_140 = arith.constant 0 : i32
    %dma_start3A_141 = tpu.memref_slice %arg9[%dma_start3A_138, %dma_start3A_139, %dma_start3A_140] : memref<4x128x128xf32, #tpu.memory_space<vmem>> -> memref<1x128x128xf32, #tpu.memory_space<vmem>>
    %dma_start3A_142 = tpu.memref_squeeze %dma_start3A_141 : memref<1x128x128xf32, #tpu.memory_space<vmem>> -> memref<128x128xf32, #tpu.memory_space<vmem>>
    %dma_start3A_143 = arith.constant 0 : i32
    %dma_start3A_144 = tpu.memref_slice %arg6[%add3A_137, %dma_start3A_143] : memref<8192x128xf32, #tpu.memory_space<hbm>> -> memref<128x128xf32, #tpu.memory_space<hbm>>
    %dma_start3A_145 = arith.constant 0 : i32
    %dma_start3A_146 = tpu.memref_slice %arg6[%add3A_137, %dma_start3A_145] : memref<8192x128xf32, #tpu.memory_space<hbm>> -> memref<128x128xf32, #tpu.memory_space<hbm>>
    %dma_start3A_147 = arith.constant 0 : i32
    %dma_start3A_148 = arith.constant 0 : i32
    %dma_start3A_149 = tpu.memref_slice %arg9[%dma_start3A_138, %dma_start3A_147, %dma_start3A_148] : memref<4x128x128xf32, #tpu.memory_space<vmem>> -> memref<1x128x128xf32, #tpu.memory_space<vmem>>
    %dma_start3A_150 = tpu.memref_squeeze %dma_start3A_149 : memref<1x128x128xf32, #tpu.memory_space<vmem>> -> memref<128x128xf32, #tpu.memory_space<vmem>>
    tpu.enqueue_dma source(%dma_start3A_150 : memref<128x128xf32, #tpu.memory_space<vmem>>) target(%dma_start3A_146 : memref<128x128xf32, #tpu.memory_space<hbm>>) target_semaphore(%arg15 : memref<!tpu.dma_semaphore, #tpu.memory_space<semaphore_mem>>)
    %dma_wait3A_151 = arith.constant 2 : i32
    %dma_wait3A_152 = arith.constant 2 : i32
    %dma_wait3A_153 = arith.constant 0 : i32
    %dma_wait3A_154 = arith.constant 0 : i32
    %dma_wait3A_155 = tpu.memref_slice %arg9[%dma_wait3A_152, %dma_wait3A_153, %dma_wait3A_154] : memref<4x128x128xf32, #tpu.memory_space<vmem>> -> memref<1x128x128xf32, #tpu.memory_space<vmem>>
    %dma_wait3A_156 = tpu.memref_squeeze %dma_wait3A_155 : memref<1x128x128xf32, #tpu.memory_space<vmem>> -> memref<128x128xf32, #tpu.memory_space<vmem>>
    %dma_wait3A_157 = arith.constant 0 : i32
    %dma_wait3A_158 = tpu.memref_slice %arg8[%dma_wait3A_151, %dma_wait3A_157] : memref<4x128xi32, #tpu.memory_space<vmem>> -> memref<1x128xi32, #tpu.memory_space<vmem>>
    %dma_wait3A_159 = tpu.memref_squeeze %dma_wait3A_158 : memref<1x128xi32, #tpu.memory_space<vmem>> -> memref<128xi32, #tpu.memory_space<vmem>>
    %dma_wait3A_160 = arith.constant 0 : i32
    %dma_wait3A_161 = arith.constant 0 : i32
    %dma_wait3A_162 = tpu.memref_slice %arg5[%dma_wait3A_160, %dma_wait3A_161] : memref<1000000x128xf32, #tpu.memory_space<hbm>> -> memref<1000000x128xf32, #tpu.memory_space<hbm>>
    tpu.wait_indirect_dma semaphore(%arg12 : memref<!tpu.dma_semaphore, #tpu.memory_space<semaphore_mem>>) src(%dma_wait3A_162 : memref<1000000x128xf32, #tpu.memory_space<hbm>>) dst(%dma_wait3A_156 : memref<128x128xf32, #tpu.memory_space<vmem>>)
    %add3A_163 = arith.constant 0 : i32
    %add3A_164 = arith.addi %mul3A_2, %add3A_163 : i32
    %dma_start3A_165 = arith.constant 2 : i32
    %dma_start3A_166 = arith.constant 0 : i32
    %dma_start3A_167 = arith.constant 0 : i32
    %dma_start3A_168 = tpu.memref_slice %arg9[%dma_start3A_165, %dma_start3A_166, %dma_start3A_167] : memref<4x128x128xf32, #tpu.memory_space<vmem>> -> memref<1x128x128xf32, #tpu.memory_space<vmem>>
    %dma_start3A_169 = tpu.memref_squeeze %dma_start3A_168 : memref<1x128x128xf32, #tpu.memory_space<vmem>> -> memref<128x128xf32, #tpu.memory_space<vmem>>
    %dma_start3A_170 = arith.constant 0 : i32
    %dma_start3A_171 = tpu.memref_slice %arg7[%add3A_164, %dma_start3A_170] : memref<8192x128xf32, #tpu.memory_space<hbm>> -> memref<128x128xf32, #tpu.memory_space<hbm>>
    %dma_start3A_172 = arith.constant 0 : i32
    %dma_start3A_173 = tpu.memref_slice %arg7[%add3A_164, %dma_start3A_172] : memref<8192x128xf32, #tpu.memory_space<hbm>> -> memref<128x128xf32, #tpu.memory_space<hbm>>
    %dma_start3A_174 = arith.constant 0 : i32
    %dma_start3A_175 = arith.constant 0 : i32
    %dma_start3A_176 = tpu.memref_slice %arg9[%dma_start3A_165, %dma_start3A_174, %dma_start3A_175] : memref<4x128x128xf32, #tpu.memory_space<vmem>> -> memref<1x128x128xf32, #tpu.memory_space<vmem>>
    %dma_start3A_177 = tpu.memref_squeeze %dma_start3A_176 : memref<1x128x128xf32, #tpu.memory_space<vmem>> -> memref<128x128xf32, #tpu.memory_space<vmem>>
    tpu.enqueue_dma source(%dma_start3A_177 : memref<128x128xf32, #tpu.memory_space<vmem>>) target(%dma_start3A_173 : memref<128x128xf32, #tpu.memory_space<hbm>>) target_semaphore(%arg16 : memref<!tpu.dma_semaphore, #tpu.memory_space<semaphore_mem>>)
    %dma_wait3A_178 = arith.constant 3 : i32
    %dma_wait3A_179 = arith.constant 3 : i32
    %dma_wait3A_180 = arith.constant 0 : i32
    %dma_wait3A_181 = arith.constant 0 : i32
    %dma_wait3A_182 = tpu.memref_slice %arg9[%dma_wait3A_179, %dma_wait3A_180, %dma_wait3A_181] : memref<4x128x128xf32, #tpu.memory_space<vmem>> -> memref<1x128x128xf32, #tpu.memory_space<vmem>>
    %dma_wait3A_183 = tpu.memref_squeeze %dma_wait3A_182 : memref<1x128x128xf32, #tpu.memory_space<vmem>> -> memref<128x128xf32, #tpu.memory_space<vmem>>
    %dma_wait3A_184 = arith.constant 0 : i32
    %dma_wait3A_185 = tpu.memref_slice %arg8[%dma_wait3A_178, %dma_wait3A_184] : memref<4x128xi32, #tpu.memory_space<vmem>> -> memref<1x128xi32, #tpu.memory_space<vmem>>
    %dma_wait3A_186 = tpu.memref_squeeze %dma_wait3A_185 : memref<1x128xi32, #tpu.memory_space<vmem>> -> memref<128xi32, #tpu.memory_space<vmem>>
    %dma_wait3A_187 = arith.constant 0 : i32
    %dma_wait3A_188 = arith.constant 0 : i32
    %dma_wait3A_189 = tpu.memref_slice %arg5[%dma_wait3A_187, %dma_wait3A_188] : memref<1000000x128xf32, #tpu.memory_space<hbm>> -> memref<1000000x128xf32, #tpu.memory_space<hbm>>
    tpu.wait_indirect_dma semaphore(%arg13 : memref<!tpu.dma_semaphore, #tpu.memory_space<semaphore_mem>>) src(%dma_wait3A_189 : memref<1000000x128xf32, #tpu.memory_space<hbm>>) dst(%dma_wait3A_183 : memref<128x128xf32, #tpu.memory_space<vmem>>)
    %add3A_190 = arith.constant 128 : i32
    %add3A_191 = arith.addi %mul3A_2, %add3A_190 : i32
    %dma_start3A_192 = arith.constant 3 : i32
    %dma_start3A_193 = arith.constant 0 : i32
    %dma_start3A_194 = arith.constant 0 : i32
    %dma_start3A_195 = tpu.memref_slice %arg9[%dma_start3A_192, %dma_start3A_193, %dma_start3A_194] : memref<4x128x128xf32, #tpu.memory_space<vmem>> -> memref<1x128x128xf32, #tpu.memory_space<vmem>>
    %dma_start3A_196 = tpu.memref_squeeze %dma_start3A_195 : memref<1x128x128xf32, #tpu.memory_space<vmem>> -> memref<128x128xf32, #tpu.memory_space<vmem>>
    %dma_start3A_197 = arith.constant 0 : i32
    %dma_start3A_198 = tpu.memref_slice %arg7[%add3A_191, %dma_start3A_197] : memref<8192x128xf32, #tpu.memory_space<hbm>> -> memref<128x128xf32, #tpu.memory_space<hbm>>
    %dma_start3A_199 = arith.constant 0 : i32
    %dma_start3A_200 = tpu.memref_slice %arg7[%add3A_191, %dma_start3A_199] : memref<8192x128xf32, #tpu.memory_space<hbm>> -> memref<128x128xf32, #tpu.memory_space<hbm>>
    %dma_start3A_201 = arith.constant 0 : i32
    %dma_start3A_202 = arith.constant 0 : i32
    %dma_start3A_203 = tpu.memref_slice %arg9[%dma_start3A_192, %dma_start3A_201, %dma_start3A_202] : memref<4x128x128xf32, #tpu.memory_space<vmem>> -> memref<1x128x128xf32, #tpu.memory_space<vmem>>
    %dma_start3A_204 = tpu.memref_squeeze %dma_start3A_203 : memref<1x128x128xf32, #tpu.memory_space<vmem>> -> memref<128x128xf32, #tpu.memory_space<vmem>>
    tpu.enqueue_dma source(%dma_start3A_204 : memref<128x128xf32, #tpu.memory_space<vmem>>) target(%dma_start3A_200 : memref<128x128xf32, #tpu.memory_space<hbm>>) target_semaphore(%arg17 : memref<!tpu.dma_semaphore, #tpu.memory_space<semaphore_mem>>)
    %dma_wait3A_205 = arith.constant 0 : i32
    %dma_wait3A_206 = arith.constant 0 : i32
    %dma_wait3A_207 = arith.constant 0 : i32
    %dma_wait3A_208 = tpu.memref_slice %arg9[%dma_wait3A_205, %dma_wait3A_206, %dma_wait3A_207] : memref<4x128x128xf32, #tpu.memory_space<vmem>> -> memref<1x128x128xf32, #tpu.memory_space<vmem>>
    %dma_wait3A_209 = tpu.memref_squeeze %dma_wait3A_208 : memref<1x128x128xf32, #tpu.memory_space<vmem>> -> memref<128x128xf32, #tpu.memory_space<vmem>>
    %dma_wait3A_210 = arith.constant 0 : i32
    %dma_wait3A_211 = tpu.memref_slice %arg6[%add3A_110, %dma_wait3A_210] : memref<8192x128xf32, #tpu.memory_space<hbm>> -> memref<128x128xf32, #tpu.memory_space<hbm>>
    %dma_wait3A_212 = arith.constant 0 : i32
    %dma_wait3A_213 = tpu.memref_slice %arg6[%add3A_110, %dma_wait3A_212] : memref<8192x128xf32, #tpu.memory_space<hbm>> -> memref<128x128xf32, #tpu.memory_space<hbm>>
    %dma_wait3A_214 = arith.constant 0 : i32
    %dma_wait3A_215 = arith.constant 0 : i32
    %dma_wait3A_216 = tpu.memref_slice %arg9[%dma_wait3A_205, %dma_wait3A_214, %dma_wait3A_215] : memref<4x128x128xf32, #tpu.memory_space<vmem>> -> memref<1x128x128xf32, #tpu.memory_space<vmem>>
    %dma_wait3A_217 = tpu.memref_squeeze %dma_wait3A_216 : memref<1x128x128xf32, #tpu.memory_space<vmem>> -> memref<128x128xf32, #tpu.memory_space<vmem>>
    tpu.wait_dma2 semaphore(%arg14 : memref<!tpu.dma_semaphore, #tpu.memory_space<semaphore_mem>>) src(%dma_wait3A_217 : memref<128x128xf32, #tpu.memory_space<vmem>>) dst(%dma_wait3A_213 : memref<128x128xf32, #tpu.memory_space<hbm>>)
    %dma_wait3A_218 = arith.constant 1 : i32
    %dma_wait3A_219 = arith.constant 0 : i32
    %dma_wait3A_220 = arith.constant 0 : i32
    %dma_wait3A_221 = tpu.memref_slice %arg9[%dma_wait3A_218, %dma_wait3A_219, %dma_wait3A_220] : memref<4x128x128xf32, #tpu.memory_space<vmem>> -> memref<1x128x128xf32, #tpu.memory_space<vmem>>
    %dma_wait3A_222 = tpu.memref_squeeze %dma_wait3A_221 : memref<1x128x128xf32, #tpu.memory_space<vmem>> -> memref<128x128xf32, #tpu.memory_space<vmem>>
    %dma_wait3A_223 = arith.constant 0 : i32
    %dma_wait3A_224 = tpu.memref_slice %arg6[%add3A_137, %dma_wait3A_223] : memref<8192x128xf32, #tpu.memory_space<hbm>> -> memref<128x128xf32, #tpu.memory_space<hbm>>
    %dma_wait3A_225 = arith.constant 0 : i32
    %dma_wait3A_226 = tpu.memref_slice %arg6[%add3A_137, %dma_wait3A_225] : memref<8192x128xf32, #tpu.memory_space<hbm>> -> memref<128x128xf32, #tpu.memory_space<hbm>>
    %dma_wait3A_227 = arith.constant 0 : i32
    %dma_wait3A_228 = arith.constant 0 : i32
    %dma_wait3A_229 = tpu.memref_slice %arg9[%dma_wait3A_218, %dma_wait3A_227, %dma_wait3A_228] : memref<4x128x128xf32, #tpu.memory_space<vmem>> -> memref<1x128x128xf32, #tpu.memory_space<vmem>>
    %dma_wait3A_230 = tpu.memref_squeeze %dma_wait3A_229 : memref<1x128x128xf32, #tpu.memory_space<vmem>> -> memref<128x128xf32, #tpu.memory_space<vmem>>
    tpu.wait_dma2 semaphore(%arg15 : memref<!tpu.dma_semaphore, #tpu.memory_space<semaphore_mem>>) src(%dma_wait3A_230 : memref<128x128xf32, #tpu.memory_space<vmem>>) dst(%dma_wait3A_226 : memref<128x128xf32, #tpu.memory_space<hbm>>)
    %dma_wait3A_231 = arith.constant 2 : i32
    %dma_wait3A_232 = arith.constant 0 : i32
    %dma_wait3A_233 = arith.constant 0 : i32
    %dma_wait3A_234 = tpu.memref_slice %arg9[%dma_wait3A_231, %dma_wait3A_232, %dma_wait3A_233] : memref<4x128x128xf32, #tpu.memory_space<vmem>> -> memref<1x128x128xf32, #tpu.memory_space<vmem>>
    %dma_wait3A_235 = tpu.memref_squeeze %dma_wait3A_234 : memref<1x128x128xf32, #tpu.memory_space<vmem>> -> memref<128x128xf32, #tpu.memory_space<vmem>>
    %dma_wait3A_236 = arith.constant 0 : i32
    %dma_wait3A_237 = tpu.memref_slice %arg7[%add3A_164, %dma_wait3A_236] : memref<8192x128xf32, #tpu.memory_space<hbm>> -> memref<128x128xf32, #tpu.memory_space<hbm>>
    %dma_wait3A_238 = arith.constant 0 : i32
    %dma_wait3A_239 = tpu.memref_slice %arg7[%add3A_164, %dma_wait3A_238] : memref<8192x128xf32, #tpu.memory_space<hbm>> -> memref<128x128xf32, #tpu.memory_space<hbm>>
    %dma_wait3A_240 = arith.constant 0 : i32
    %dma_wait3A_241 = arith.constant 0 : i32
    %dma_wait3A_242 = tpu.memref_slice %arg9[%dma_wait3A_231, %dma_wait3A_240, %dma_wait3A_241] : memref<4x128x128xf32, #tpu.memory_space<vmem>> -> memref<1x128x128xf32, #tpu.memory_space<vmem>>
    %dma_wait3A_243 = tpu.memref_squeeze %dma_wait3A_242 : memref<1x128x128xf32, #tpu.memory_space<vmem>> -> memref<128x128xf32, #tpu.memory_space<vmem>>
    tpu.wait_dma2 semaphore(%arg16 : memref<!tpu.dma_semaphore, #tpu.memory_space<semaphore_mem>>) src(%dma_wait3A_243 : memref<128x128xf32, #tpu.memory_space<vmem>>) dst(%dma_wait3A_239 : memref<128x128xf32, #tpu.memory_space<hbm>>)
    %dma_wait3A_244 = arith.constant 3 : i32
    %dma_wait3A_245 = arith.constant 0 : i32
    %dma_wait3A_246 = arith.constant 0 : i32
    %dma_wait3A_247 = tpu.memref_slice %arg9[%dma_wait3A_244, %dma_wait3A_245, %dma_wait3A_246] : memref<4x128x128xf32, #tpu.memory_space<vmem>> -> memref<1x128x128xf32, #tpu.memory_space<vmem>>
    %dma_wait3A_248 = tpu.memref_squeeze %dma_wait3A_247 : memref<1x128x128xf32, #tpu.memory_space<vmem>> -> memref<128x128xf32, #tpu.memory_space<vmem>>
    %dma_wait3A_249 = arith.constant 0 : i32
    %dma_wait3A_250 = tpu.memref_slice %arg7[%add3A_191, %dma_wait3A_249] : memref<8192x128xf32, #tpu.memory_space<hbm>> -> memref<128x128xf32, #tpu.memory_space<hbm>>
    %dma_wait3A_251 = arith.constant 0 : i32
    %dma_wait3A_252 = tpu.memref_slice %arg7[%add3A_191, %dma_wait3A_251] : memref<8192x128xf32, #tpu.memory_space<hbm>> -> memref<128x128xf32, #tpu.memory_space<hbm>>
    %dma_wait3A_253 = arith.constant 0 : i32
    %dma_wait3A_254 = arith.constant 0 : i32
    %dma_wait3A_255 = tpu.memref_slice %arg9[%dma_wait3A_244, %dma_wait3A_253, %dma_wait3A_254] : memref<4x128x128xf32, #tpu.memory_space<vmem>> -> memref<1x128x128xf32, #tpu.memory_space<vmem>>
    %dma_wait3A_256 = tpu.memref_squeeze %dma_wait3A_255 : memref<1x128x128xf32, #tpu.memory_space<vmem>> -> memref<128x128xf32, #tpu.memory_space<vmem>>
    tpu.wait_dma2 semaphore(%arg17 : memref<!tpu.dma_semaphore, #tpu.memory_space<semaphore_mem>>) src(%dma_wait3A_256 : memref<128x128xf32, #tpu.memory_space<vmem>>) dst(%dma_wait3A_252 : memref<128x128xf32, #tpu.memory_space<hbm>>)
    return
  }
}

#map = affine_map<(d0, d1) -> (0, 0)>
module attributes {stable_mosaic.version = 14 : i64} {
  func.func @body(%arg0: i32, %arg1: i32, %arg2: memref<128x128xi32, #tpu.memory_space<hbm>>, %arg3: memref<128x128xi32, #tpu.memory_space<hbm>>, %arg4: memref<100000x128xf32, #tpu.memory_space<hbm>>, %arg5: memref<1000000x128xf32, #tpu.memory_space<hbm>>, %arg6: memref<8192x128xf32, #tpu.memory_space<hbm>>, %arg7: memref<8192x128xf32, #tpu.memory_space<hbm>>, %arg8: memref<4x128xi32, #tpu.memory_space<vmem>>, %arg9: memref<4x128x128xf32, #tpu.memory_space<vmem>>, %arg10: memref<!tpu.dma_semaphore, #tpu.memory_space<semaphore_mem>>, %arg11: memref<!tpu.dma_semaphore, #tpu.memory_space<semaphore_mem>>, %arg12: memref<!tpu.dma_semaphore, #tpu.memory_space<semaphore_mem>>, %arg13: memref<!tpu.dma_semaphore, #tpu.memory_space<semaphore_mem>>, %arg14: memref<!tpu.dma_semaphore, #tpu.memory_space<semaphore_mem>>, %arg15: memref<!tpu.dma_semaphore, #tpu.memory_space<semaphore_mem>>, %arg16: memref<!tpu.dma_semaphore, #tpu.memory_space<semaphore_mem>>, %arg17: memref<!tpu.dma_semaphore, #tpu.memory_space<semaphore_mem>>, %arg18: memref<!tpu.dma_semaphore, #tpu.memory_space<semaphore_mem>>) attributes {dimension_semantics = [#tpu.dimension_semantics<core_parallel>, #tpu.dimension_semantics<subcore_parallel>], iteration_bounds = array<i64: 2, 16>, scalar_prefetch = 0 : i64, scratch_operands = 11 : i64, tpu.core_type = #tpu.core_type<sc_vector_subcore>, window_params = [{transform_indices = #map}, {transform_indices = #map}, {transform_indices = #map}, {transform_indices = #map}, {transform_indices = #map}, {transform_indices = #map}]} {
    %mul3A = arith.constant 2 : i32
    %mul3A_0 = arith.muli %arg1, %mul3A : i32
    %add3A = arith.addi %mul3A_0, %arg0 : i32
    %mul3A_1 = arith.constant 256 : i32
    %mul3A_2 = arith.muli %add3A, %mul3A_1 : i32
    %mul3A_3 = arith.constant 2 : i32
    %mul3A_4 = arith.muli %add3A, %mul3A_3 : i32
    %add3A_5 = arith.constant 64 : i32
    %add3A_6 = arith.addi %add3A_5, %mul3A_4 : i32
    %dma_start3A = arith.constant 0 : i32
    %dma_start3A_7 = arith.constant 0 : i32
    %dma_start3A_8 = tpu.memref_slice %arg8[%dma_start3A, %dma_start3A_7] : memref<4x128xi32, #tpu.memory_space<vmem>> -> memref<2x128xi32, #tpu.memory_space<vmem>>
    %dma_start3A_9 = arith.constant 0 : i32
    %dma_start3A_10 = tpu.memref_slice %arg2[%add3A_6, %dma_start3A_9] : memref<128x128xi32, #tpu.memory_space<hbm>> -> memref<2x128xi32, #tpu.memory_space<hbm>>
    %dma_start3A_11 = arith.constant 0 : i32
    %dma_start3A_12 = arith.constant 0 : i32
    %dma_start3A_13 = tpu.memref_slice %arg8[%dma_start3A_11, %dma_start3A_12] : memref<4x128xi32, #tpu.memory_space<vmem>> -> memref<2x128xi32, #tpu.memory_space<vmem>>
    %dma_start3A_14 = arith.constant 0 : i32
    %dma_start3A_15 = tpu.memref_slice %arg2[%add3A_6, %dma_start3A_14] : memref<128x128xi32, #tpu.memory_space<hbm>> -> memref<2x128xi32, #tpu.memory_space<hbm>>
    tpu.enqueue_dma source(%dma_start3A_15 : memref<2x128xi32, #tpu.memory_space<hbm>>) target(%dma_start3A_13 : memref<2x128xi32, #tpu.memory_space<vmem>>) target_semaphore(%arg18 : memref<!tpu.dma_semaphore, #tpu.memory_space<semaphore_mem>>)
    %mul3A_16 = arith.constant 2 : i32
    %mul3A_17 = arith.muli %add3A, %mul3A_16 : i32
    %add3A_18 = arith.constant 64 : i32
    %add3A_19 = arith.addi %add3A_18, %mul3A_17 : i32
    %dma_start3A_20 = arith.constant 2 : i32
    %dma_start3A_21 = arith.constant 0 : i32
    %dma_start3A_22 = tpu.memref_slice %arg8[%dma_start3A_20, %dma_start3A_21] : memref<4x128xi32, #tpu.memory_space<vmem>> -> memref<2x128xi32, #tpu.memory_space<vmem>>
    %dma_start3A_23 = arith.constant 0 : i32
    %dma_start3A_24 = tpu.memref_slice %arg3[%add3A_19, %dma_start3A_23] : memref<128x128xi32, #tpu.memory_space<hbm>> -> memref<2x128xi32, #tpu.memory_space<hbm>>
    %dma_start3A_25 = arith.constant 2 : i32
    %dma_start3A_26 = arith.constant 0 : i32
    %dma_start3A_27 = tpu.memref_slice %arg8[%dma_start3A_25, %dma_start3A_26] : memref<4x128xi32, #tpu.memory_space<vmem>> -> memref<2x128xi32, #tpu.memory_space<vmem>>
    %dma_start3A_28 = arith.constant 0 : i32
    %dma_start3A_29 = tpu.memref_slice %arg3[%add3A_19, %dma_start3A_28] : memref<128x128xi32, #tpu.memory_space<hbm>> -> memref<2x128xi32, #tpu.memory_space<hbm>>
    tpu.enqueue_dma source(%dma_start3A_29 : memref<2x128xi32, #tpu.memory_space<hbm>>) target(%dma_start3A_27 : memref<2x128xi32, #tpu.memory_space<vmem>>) target_semaphore(%arg18 : memref<!tpu.dma_semaphore, #tpu.memory_space<semaphore_mem>>)
    %dma_wait3A = arith.constant 0 : i32
    %dma_wait3A_30 = arith.constant 0 : i32
    %dma_wait3A_31 = tpu.memref_slice %arg8[%dma_wait3A, %dma_wait3A_30] : memref<4x128xi32, #tpu.memory_space<vmem>> -> memref<2x128xi32, #tpu.memory_space<vmem>>
    %dma_wait3A_32 = arith.constant 0 : i32
    %dma_wait3A_33 = tpu.memref_slice %arg2[%add3A_6, %dma_wait3A_32] : memref<128x128xi32, #tpu.memory_space<hbm>> -> memref<2x128xi32, #tpu.memory_space<hbm>>
    %dma_wait3A_34 = arith.constant 0 : i32
    %dma_wait3A_35 = arith.constant 0 : i32
    %dma_wait3A_36 = tpu.memref_slice %arg8[%dma_wait3A_34, %dma_wait3A_35] : memref<4x128xi32, #tpu.memory_space<vmem>> -> memref<2x128xi32, #tpu.memory_space<vmem>>
    %dma_wait3A_37 = arith.constant 0 : i32
    %dma_wait3A_38 = tpu.memref_slice %arg2[%add3A_6, %dma_wait3A_37] : memref<128x128xi32, #tpu.memory_space<hbm>> -> memref<2x128xi32, #tpu.memory_space<hbm>>
    tpu.wait_dma2 semaphore(%arg18 : memref<!tpu.dma_semaphore, #tpu.memory_space<semaphore_mem>>) src(%dma_wait3A_38 : memref<2x128xi32, #tpu.memory_space<hbm>>) dst(%dma_wait3A_36 : memref<2x128xi32, #tpu.memory_space<vmem>>)
    %dma_wait3A_39 = arith.constant 2 : i32
    %dma_wait3A_40 = arith.constant 0 : i32
    %dma_wait3A_41 = tpu.memref_slice %arg8[%dma_wait3A_39, %dma_wait3A_40] : memref<4x128xi32, #tpu.memory_space<vmem>> -> memref<2x128xi32, #tpu.memory_space<vmem>>
    %dma_wait3A_42 = arith.constant 0 : i32
    %dma_wait3A_43 = tpu.memref_slice %arg3[%add3A_19, %dma_wait3A_42] : memref<128x128xi32, #tpu.memory_space<hbm>> -> memref<2x128xi32, #tpu.memory_space<hbm>>
    %dma_wait3A_44 = arith.constant 2 : i32
    %dma_wait3A_45 = arith.constant 0 : i32
    %dma_wait3A_46 = tpu.memref_slice %arg8[%dma_wait3A_44, %dma_wait3A_45] : memref<4x128xi32, #tpu.memory_space<vmem>> -> memref<2x128xi32, #tpu.memory_space<vmem>>
    %dma_wait3A_47 = arith.constant 0 : i32
    %dma_wait3A_48 = tpu.memref_slice %arg3[%add3A_19, %dma_wait3A_47] : memref<128x128xi32, #tpu.memory_space<hbm>> -> memref<2x128xi32, #tpu.memory_space<hbm>>
    tpu.wait_dma2 semaphore(%arg18 : memref<!tpu.dma_semaphore, #tpu.memory_space<semaphore_mem>>) src(%dma_wait3A_48 : memref<2x128xi32, #tpu.memory_space<hbm>>) dst(%dma_wait3A_46 : memref<2x128xi32, #tpu.memory_space<vmem>>)
    %dma_start3A_49 = arith.constant 0 : i32
    %dma_start3A_50 = arith.constant 0 : i32
    %dma_start3A_51 = arith.constant 0 : i32
    %dma_start3A_52 = arith.constant 0 : i32
    %dma_start3A_53 = tpu.memref_slice %arg9[%dma_start3A_50, %dma_start3A_51, %dma_start3A_52] : memref<4x128x128xf32, #tpu.memory_space<vmem>> -> memref<1x128x128xf32, #tpu.memory_space<vmem>>
    %dma_start3A_54 = tpu.memref_squeeze %dma_start3A_53 : memref<1x128x128xf32, #tpu.memory_space<vmem>> -> memref<128x128xf32, #tpu.memory_space<vmem>>
    %dma_start3A_55 = arith.constant 0 : i32
    %dma_start3A_56 = tpu.memref_slice %arg8[%dma_start3A_49, %dma_start3A_55] : memref<4x128xi32, #tpu.memory_space<vmem>> -> memref<1x128xi32, #tpu.memory_space<vmem>>
    %dma_start3A_57 = tpu.memref_squeeze %dma_start3A_56 : memref<1x128xi32, #tpu.memory_space<vmem>> -> memref<128xi32, #tpu.memory_space<vmem>>
    %dma_start3A_58 = arith.constant 0 : i32
    %dma_start3A_59 = arith.constant 0 : i32
    %dma_start3A_60 = tpu.memref_slice %arg4[%dma_start3A_58, %dma_start3A_59] : memref<100000x128xf32, #tpu.memory_space<hbm>> -> memref<100000x128xf32, #tpu.memory_space<hbm>>
    tpu.enqueue_indirect_dma source(%dma_start3A_60 : memref<100000x128xf32, #tpu.memory_space<hbm>>) target(%dma_start3A_54 : memref<128x128xf32, #tpu.memory_space<vmem>>) offsets(%dma_start3A_57 : memref<128xi32, #tpu.memory_space<vmem>>) semaphore(%arg10 : memref<!tpu.dma_semaphore, #tpu.memory_space<semaphore_mem>>)
    %dma_start3A_61 = arith.constant 1 : i32
    %dma_start3A_62 = arith.constant 1 : i32
    %dma_start3A_63 = arith.constant 0 : i32
    %dma_start3A_64 = arith.constant 0 : i32
    %dma_start3A_65 = tpu.memref_slice %arg9[%dma_start3A_62, %dma_start3A_63, %dma_start3A_64] : memref<4x128x128xf32, #tpu.memory_space<vmem>> -> memref<1x128x128xf32, #tpu.memory_space<vmem>>
    %dma_start3A_66 = tpu.memref_squeeze %dma_start3A_65 : memref<1x128x128xf32, #tpu.memory_space<vmem>> -> memref<128x128xf32, #tpu.memory_space<vmem>>
    %dma_start3A_67 = arith.constant 0 : i32
    %dma_start3A_68 = tpu.memref_slice %arg8[%dma_start3A_61, %dma_start3A_67] : memref<4x128xi32, #tpu.memory_space<vmem>> -> memref<1x128xi32, #tpu.memory_space<vmem>>
    %dma_start3A_69 = tpu.memref_squeeze %dma_start3A_68 : memref<1x128xi32, #tpu.memory_space<vmem>> -> memref<128xi32, #tpu.memory_space<vmem>>
    %dma_start3A_70 = arith.constant 0 : i32
    %dma_start3A_71 = arith.constant 0 : i32
    %dma_start3A_72 = tpu.memref_slice %arg4[%dma_start3A_70, %dma_start3A_71] : memref<100000x128xf32, #tpu.memory_space<hbm>> -> memref<100000x128xf32, #tpu.memory_space<hbm>>
    tpu.enqueue_indirect_dma source(%dma_start3A_72 : memref<100000x128xf32, #tpu.memory_space<hbm>>) target(%dma_start3A_66 : memref<128x128xf32, #tpu.memory_space<vmem>>) offsets(%dma_start3A_69 : memref<128xi32, #tpu.memory_space<vmem>>) semaphore(%arg11 : memref<!tpu.dma_semaphore, #tpu.memory_space<semaphore_mem>>)
    %dma_start3A_73 = arith.constant 2 : i32
    %dma_start3A_74 = arith.constant 2 : i32
    %dma_start3A_75 = arith.constant 0 : i32
    %dma_start3A_76 = arith.constant 0 : i32
    %dma_start3A_77 = tpu.memref_slice %arg9[%dma_start3A_74, %dma_start3A_75, %dma_start3A_76] : memref<4x128x128xf32, #tpu.memory_space<vmem>> -> memref<1x128x128xf32, #tpu.memory_space<vmem>>
    %dma_start3A_78 = tpu.memref_squeeze %dma_start3A_77 : memref<1x128x128xf32, #tpu.memory_space<vmem>> -> memref<128x128xf32, #tpu.memory_space<vmem>>
    %dma_start3A_79 = arith.constant 0 : i32
    %dma_start3A_80 = tpu.memref_slice %arg8[%dma_start3A_73, %dma_start3A_79] : memref<4x128xi32, #tpu.memory_space<vmem>> -> memref<1x128xi32, #tpu.memory_space<vmem>>
    %dma_start3A_81 = tpu.memref_squeeze %dma_start3A_80 : memref<1x128xi32, #tpu.memory_space<vmem>> -> memref<128xi32, #tpu.memory_space<vmem>>
    %dma_start3A_82 = arith.constant 0 : i32
    %dma_start3A_83 = arith.constant 0 : i32
    %dma_start3A_84 = tpu.memref_slice %arg5[%dma_start3A_82, %dma_start3A_83] : memref<1000000x128xf32, #tpu.memory_space<hbm>> -> memref<1000000x128xf32, #tpu.memory_space<hbm>>
    tpu.enqueue_indirect_dma source(%dma_start3A_84 : memref<1000000x128xf32, #tpu.memory_space<hbm>>) target(%dma_start3A_78 : memref<128x128xf32, #tpu.memory_space<vmem>>) offsets(%dma_start3A_81 : memref<128xi32, #tpu.memory_space<vmem>>) semaphore(%arg12 : memref<!tpu.dma_semaphore, #tpu.memory_space<semaphore_mem>>)
    %dma_start3A_85 = arith.constant 3 : i32
    %dma_start3A_86 = arith.constant 3 : i32
    %dma_start3A_87 = arith.constant 0 : i32
    %dma_start3A_88 = arith.constant 0 : i32
    %dma_start3A_89 = tpu.memref_slice %arg9[%dma_start3A_86, %dma_start3A_87, %dma_start3A_88] : memref<4x128x128xf32, #tpu.memory_space<vmem>> -> memref<1x128x128xf32, #tpu.memory_space<vmem>>
    %dma_start3A_90 = tpu.memref_squeeze %dma_start3A_89 : memref<1x128x128xf32, #tpu.memory_space<vmem>> -> memref<128x128xf32, #tpu.memory_space<vmem>>
    %dma_start3A_91 = arith.constant 0 : i32
    %dma_start3A_92 = tpu.memref_slice %arg8[%dma_start3A_85, %dma_start3A_91] : memref<4x128xi32, #tpu.memory_space<vmem>> -> memref<1x128xi32, #tpu.memory_space<vmem>>
    %dma_start3A_93 = tpu.memref_squeeze %dma_start3A_92 : memref<1x128xi32, #tpu.memory_space<vmem>> -> memref<128xi32, #tpu.memory_space<vmem>>
    %dma_start3A_94 = arith.constant 0 : i32
    %dma_start3A_95 = arith.constant 0 : i32
    %dma_start3A_96 = tpu.memref_slice %arg5[%dma_start3A_94, %dma_start3A_95] : memref<1000000x128xf32, #tpu.memory_space<hbm>> -> memref<1000000x128xf32, #tpu.memory_space<hbm>>
    tpu.enqueue_indirect_dma source(%dma_start3A_96 : memref<1000000x128xf32, #tpu.memory_space<hbm>>) target(%dma_start3A_90 : memref<128x128xf32, #tpu.memory_space<vmem>>) offsets(%dma_start3A_93 : memref<128xi32, #tpu.memory_space<vmem>>) semaphore(%arg13 : memref<!tpu.dma_semaphore, #tpu.memory_space<semaphore_mem>>)
    %dma_wait3A_97 = arith.constant 0 : i32
    %dma_wait3A_98 = arith.constant 0 : i32
    %dma_wait3A_99 = arith.constant 0 : i32
    %dma_wait3A_100 = arith.constant 0 : i32
    %dma_wait3A_101 = tpu.memref_slice %arg9[%dma_wait3A_98, %dma_wait3A_99, %dma_wait3A_100] : memref<4x128x128xf32, #tpu.memory_space<vmem>> -> memref<1x128x128xf32, #tpu.memory_space<vmem>>
    %dma_wait3A_102 = tpu.memref_squeeze %dma_wait3A_101 : memref<1x128x128xf32, #tpu.memory_space<vmem>> -> memref<128x128xf32, #tpu.memory_space<vmem>>
    %dma_wait3A_103 = arith.constant 0 : i32
    %dma_wait3A_104 = tpu.memref_slice %arg8[%dma_wait3A_97, %dma_wait3A_103] : memref<4x128xi32, #tpu.memory_space<vmem>> -> memref<1x128xi32, #tpu.memory_space<vmem>>
    %dma_wait3A_105 = tpu.memref_squeeze %dma_wait3A_104 : memref<1x128xi32, #tpu.memory_space<vmem>> -> memref<128xi32, #tpu.memory_space<vmem>>
    %dma_wait3A_106 = arith.constant 0 : i32
    %dma_wait3A_107 = arith.constant 0 : i32
    %dma_wait3A_108 = tpu.memref_slice %arg4[%dma_wait3A_106, %dma_wait3A_107] : memref<100000x128xf32, #tpu.memory_space<hbm>> -> memref<100000x128xf32, #tpu.memory_space<hbm>>
    tpu.wait_indirect_dma semaphore(%arg10 : memref<!tpu.dma_semaphore, #tpu.memory_space<semaphore_mem>>) src(%dma_wait3A_108 : memref<100000x128xf32, #tpu.memory_space<hbm>>) dst(%dma_wait3A_102 : memref<128x128xf32, #tpu.memory_space<vmem>>)
    %add3A_109 = arith.constant 0 : i32
    %add3A_110 = arith.addi %mul3A_2, %add3A_109 : i32
    %dma_start3A_111 = arith.constant 0 : i32
    %dma_start3A_112 = arith.constant 0 : i32
    %dma_start3A_113 = arith.constant 0 : i32
    %dma_start3A_114 = tpu.memref_slice %arg9[%dma_start3A_111, %dma_start3A_112, %dma_start3A_113] : memref<4x128x128xf32, #tpu.memory_space<vmem>> -> memref<1x128x128xf32, #tpu.memory_space<vmem>>
    %dma_start3A_115 = tpu.memref_squeeze %dma_start3A_114 : memref<1x128x128xf32, #tpu.memory_space<vmem>> -> memref<128x128xf32, #tpu.memory_space<vmem>>
    %dma_start3A_116 = arith.constant 0 : i32
    %dma_start3A_117 = tpu.memref_slice %arg6[%add3A_110, %dma_start3A_116] : memref<8192x128xf32, #tpu.memory_space<hbm>> -> memref<128x128xf32, #tpu.memory_space<hbm>>
    %dma_start3A_118 = arith.constant 0 : i32
    %dma_start3A_119 = tpu.memref_slice %arg6[%add3A_110, %dma_start3A_118] : memref<8192x128xf32, #tpu.memory_space<hbm>> -> memref<128x128xf32, #tpu.memory_space<hbm>>
    %dma_start3A_120 = arith.constant 0 : i32
    %dma_start3A_121 = arith.constant 0 : i32
    %dma_start3A_122 = tpu.memref_slice %arg9[%dma_start3A_111, %dma_start3A_120, %dma_start3A_121] : memref<4x128x128xf32, #tpu.memory_space<vmem>> -> memref<1x128x128xf32, #tpu.memory_space<vmem>>
    %dma_start3A_123 = tpu.memref_squeeze %dma_start3A_122 : memref<1x128x128xf32, #tpu.memory_space<vmem>> -> memref<128x128xf32, #tpu.memory_space<vmem>>
    tpu.enqueue_dma source(%dma_start3A_123 : memref<128x128xf32, #tpu.memory_space<vmem>>) target(%dma_start3A_119 : memref<128x128xf32, #tpu.memory_space<hbm>>) target_semaphore(%arg14 : memref<!tpu.dma_semaphore, #tpu.memory_space<semaphore_mem>>)
    %dma_wait3A_124 = arith.constant 1 : i32
    %dma_wait3A_125 = arith.constant 1 : i32
    %dma_wait3A_126 = arith.constant 0 : i32
    %dma_wait3A_127 = arith.constant 0 : i32
    %dma_wait3A_128 = tpu.memref_slice %arg9[%dma_wait3A_125, %dma_wait3A_126, %dma_wait3A_127] : memref<4x128x128xf32, #tpu.memory_space<vmem>> -> memref<1x128x128xf32, #tpu.memory_space<vmem>>
    %dma_wait3A_129 = tpu.memref_squeeze %dma_wait3A_128 : memref<1x128x128xf32, #tpu.memory_space<vmem>> -> memref<128x128xf32, #tpu.memory_space<vmem>>
    %dma_wait3A_130 = arith.constant 0 : i32
    %dma_wait3A_131 = tpu.memref_slice %arg8[%dma_wait3A_124, %dma_wait3A_130] : memref<4x128xi32, #tpu.memory_space<vmem>> -> memref<1x128xi32, #tpu.memory_space<vmem>>
    %dma_wait3A_132 = tpu.memref_squeeze %dma_wait3A_131 : memref<1x128xi32, #tpu.memory_space<vmem>> -> memref<128xi32, #tpu.memory_space<vmem>>
    %dma_wait3A_133 = arith.constant 0 : i32
    %dma_wait3A_134 = arith.constant 0 : i32
    %dma_wait3A_135 = tpu.memref_slice %arg4[%dma_wait3A_133, %dma_wait3A_134] : memref<100000x128xf32, #tpu.memory_space<hbm>> -> memref<100000x128xf32, #tpu.memory_space<hbm>>
    tpu.wait_indirect_dma semaphore(%arg11 : memref<!tpu.dma_semaphore, #tpu.memory_space<semaphore_mem>>) src(%dma_wait3A_135 : memref<100000x128xf32, #tpu.memory_space<hbm>>) dst(%dma_wait3A_129 : memref<128x128xf32, #tpu.memory_space<vmem>>)
    %add3A_136 = arith.constant 128 : i32
    %add3A_137 = arith.addi %mul3A_2, %add3A_136 : i32
    %dma_start3A_138 = arith.constant 1 : i32
    %dma_start3A_139 = arith.constant 0 : i32
    %dma_start3A_140 = arith.constant 0 : i32
    %dma_start3A_141 = tpu.memref_slice %arg9[%dma_start3A_138, %dma_start3A_139, %dma_start3A_140] : memref<4x128x128xf32, #tpu.memory_space<vmem>> -> memref<1x128x128xf32, #tpu.memory_space<vmem>>
    %dma_start3A_142 = tpu.memref_squeeze %dma_start3A_141 : memref<1x128x128xf32, #tpu.memory_space<vmem>> -> memref<128x128xf32, #tpu.memory_space<vmem>>
    %dma_start3A_143 = arith.constant 0 : i32
    %dma_start3A_144 = tpu.memref_slice %arg6[%add3A_137, %dma_start3A_143] : memref<8192x128xf32, #tpu.memory_space<hbm>> -> memref<128x128xf32, #tpu.memory_space<hbm>>
    %dma_start3A_145 = arith.constant 0 : i32
    %dma_start3A_146 = tpu.memref_slice %arg6[%add3A_137, %dma_start3A_145] : memref<8192x128xf32, #tpu.memory_space<hbm>> -> memref<128x128xf32, #tpu.memory_space<hbm>>
    %dma_start3A_147 = arith.constant 0 : i32
    %dma_start3A_148 = arith.constant 0 : i32
    %dma_start3A_149 = tpu.memref_slice %arg9[%dma_start3A_138, %dma_start3A_147, %dma_start3A_148] : memref<4x128x128xf32, #tpu.memory_space<vmem>> -> memref<1x128x128xf32, #tpu.memory_space<vmem>>
    %dma_start3A_150 = tpu.memref_squeeze %dma_start3A_149 : memref<1x128x128xf32, #tpu.memory_space<vmem>> -> memref<128x128xf32, #tpu.memory_space<vmem>>
    tpu.enqueue_dma source(%dma_start3A_150 : memref<128x128xf32, #tpu.memory_space<vmem>>) target(%dma_start3A_146 : memref<128x128xf32, #tpu.memory_space<hbm>>) target_semaphore(%arg15 : memref<!tpu.dma_semaphore, #tpu.memory_space<semaphore_mem>>)
    %dma_wait3A_151 = arith.constant 2 : i32
    %dma_wait3A_152 = arith.constant 2 : i32
    %dma_wait3A_153 = arith.constant 0 : i32
    %dma_wait3A_154 = arith.constant 0 : i32
    %dma_wait3A_155 = tpu.memref_slice %arg9[%dma_wait3A_152, %dma_wait3A_153, %dma_wait3A_154] : memref<4x128x128xf32, #tpu.memory_space<vmem>> -> memref<1x128x128xf32, #tpu.memory_space<vmem>>
    %dma_wait3A_156 = tpu.memref_squeeze %dma_wait3A_155 : memref<1x128x128xf32, #tpu.memory_space<vmem>> -> memref<128x128xf32, #tpu.memory_space<vmem>>
    %dma_wait3A_157 = arith.constant 0 : i32
    %dma_wait3A_158 = tpu.memref_slice %arg8[%dma_wait3A_151, %dma_wait3A_157] : memref<4x128xi32, #tpu.memory_space<vmem>> -> memref<1x128xi32, #tpu.memory_space<vmem>>
    %dma_wait3A_159 = tpu.memref_squeeze %dma_wait3A_158 : memref<1x128xi32, #tpu.memory_space<vmem>> -> memref<128xi32, #tpu.memory_space<vmem>>
    %dma_wait3A_160 = arith.constant 0 : i32
    %dma_wait3A_161 = arith.constant 0 : i32
    %dma_wait3A_162 = tpu.memref_slice %arg5[%dma_wait3A_160, %dma_wait3A_161] : memref<1000000x128xf32, #tpu.memory_space<hbm>> -> memref<1000000x128xf32, #tpu.memory_space<hbm>>
    tpu.wait_indirect_dma semaphore(%arg12 : memref<!tpu.dma_semaphore, #tpu.memory_space<semaphore_mem>>) src(%dma_wait3A_162 : memref<1000000x128xf32, #tpu.memory_space<hbm>>) dst(%dma_wait3A_156 : memref<128x128xf32, #tpu.memory_space<vmem>>)
    %add3A_163 = arith.constant 0 : i32
    %add3A_164 = arith.addi %mul3A_2, %add3A_163 : i32
    %dma_start3A_165 = arith.constant 2 : i32
    %dma_start3A_166 = arith.constant 0 : i32
    %dma_start3A_167 = arith.constant 0 : i32
    %dma_start3A_168 = tpu.memref_slice %arg9[%dma_start3A_165, %dma_start3A_166, %dma_start3A_167] : memref<4x128x128xf32, #tpu.memory_space<vmem>> -> memref<1x128x128xf32, #tpu.memory_space<vmem>>
    %dma_start3A_169 = tpu.memref_squeeze %dma_start3A_168 : memref<1x128x128xf32, #tpu.memory_space<vmem>> -> memref<128x128xf32, #tpu.memory_space<vmem>>
    %dma_start3A_170 = arith.constant 0 : i32
    %dma_start3A_171 = tpu.memref_slice %arg7[%add3A_164, %dma_start3A_170] : memref<8192x128xf32, #tpu.memory_space<hbm>> -> memref<128x128xf32, #tpu.memory_space<hbm>>
    %dma_start3A_172 = arith.constant 0 : i32
    %dma_start3A_173 = tpu.memref_slice %arg7[%add3A_164, %dma_start3A_172] : memref<8192x128xf32, #tpu.memory_space<hbm>> -> memref<128x128xf32, #tpu.memory_space<hbm>>
    %dma_start3A_174 = arith.constant 0 : i32
    %dma_start3A_175 = arith.constant 0 : i32
    %dma_start3A_176 = tpu.memref_slice %arg9[%dma_start3A_165, %dma_start3A_174, %dma_start3A_175] : memref<4x128x128xf32, #tpu.memory_space<vmem>> -> memref<1x128x128xf32, #tpu.memory_space<vmem>>
    %dma_start3A_177 = tpu.memref_squeeze %dma_start3A_176 : memref<1x128x128xf32, #tpu.memory_space<vmem>> -> memref<128x128xf32, #tpu.memory_space<vmem>>
    tpu.enqueue_dma source(%dma_start3A_177 : memref<128x128xf32, #tpu.memory_space<vmem>>) target(%dma_start3A_173 : memref<128x128xf32, #tpu.memory_space<hbm>>) target_semaphore(%arg16 : memref<!tpu.dma_semaphore, #tpu.memory_space<semaphore_mem>>)
    %dma_wait3A_178 = arith.constant 3 : i32
    %dma_wait3A_179 = arith.constant 3 : i32
    %dma_wait3A_180 = arith.constant 0 : i32
    %dma_wait3A_181 = arith.constant 0 : i32
    %dma_wait3A_182 = tpu.memref_slice %arg9[%dma_wait3A_179, %dma_wait3A_180, %dma_wait3A_181] : memref<4x128x128xf32, #tpu.memory_space<vmem>> -> memref<1x128x128xf32, #tpu.memory_space<vmem>>
    %dma_wait3A_183 = tpu.memref_squeeze %dma_wait3A_182 : memref<1x128x128xf32, #tpu.memory_space<vmem>> -> memref<128x128xf32, #tpu.memory_space<vmem>>
    %dma_wait3A_184 = arith.constant 0 : i32
    %dma_wait3A_185 = tpu.memref_slice %arg8[%dma_wait3A_178, %dma_wait3A_184] : memref<4x128xi32, #tpu.memory_space<vmem>> -> memref<1x128xi32, #tpu.memory_space<vmem>>
    %dma_wait3A_186 = tpu.memref_squeeze %dma_wait3A_185 : memref<1x128xi32, #tpu.memory_space<vmem>> -> memref<128xi32, #tpu.memory_space<vmem>>
    %dma_wait3A_187 = arith.constant 0 : i32
    %dma_wait3A_188 = arith.constant 0 : i32
    %dma_wait3A_189 = tpu.memref_slice %arg5[%dma_wait3A_187, %dma_wait3A_188] : memref<1000000x128xf32, #tpu.memory_space<hbm>> -> memref<1000000x128xf32, #tpu.memory_space<hbm>>
    tpu.wait_indirect_dma semaphore(%arg13 : memref<!tpu.dma_semaphore, #tpu.memory_space<semaphore_mem>>) src(%dma_wait3A_189 : memref<1000000x128xf32, #tpu.memory_space<hbm>>) dst(%dma_wait3A_183 : memref<128x128xf32, #tpu.memory_space<vmem>>)
    %add3A_190 = arith.constant 128 : i32
    %add3A_191 = arith.addi %mul3A_2, %add3A_190 : i32
    %dma_start3A_192 = arith.constant 3 : i32
    %dma_start3A_193 = arith.constant 0 : i32
    %dma_start3A_194 = arith.constant 0 : i32
    %dma_start3A_195 = tpu.memref_slice %arg9[%dma_start3A_192, %dma_start3A_193, %dma_start3A_194] : memref<4x128x128xf32, #tpu.memory_space<vmem>> -> memref<1x128x128xf32, #tpu.memory_space<vmem>>
    %dma_start3A_196 = tpu.memref_squeeze %dma_start3A_195 : memref<1x128x128xf32, #tpu.memory_space<vmem>> -> memref<128x128xf32, #tpu.memory_space<vmem>>
    %dma_start3A_197 = arith.constant 0 : i32
    %dma_start3A_198 = tpu.memref_slice %arg7[%add3A_191, %dma_start3A_197] : memref<8192x128xf32, #tpu.memory_space<hbm>> -> memref<128x128xf32, #tpu.memory_space<hbm>>
    %dma_start3A_199 = arith.constant 0 : i32
    %dma_start3A_200 = tpu.memref_slice %arg7[%add3A_191, %dma_start3A_199] : memref<8192x128xf32, #tpu.memory_space<hbm>> -> memref<128x128xf32, #tpu.memory_space<hbm>>
    %dma_start3A_201 = arith.constant 0 : i32
    %dma_start3A_202 = arith.constant 0 : i32
    %dma_start3A_203 = tpu.memref_slice %arg9[%dma_start3A_192, %dma_start3A_201, %dma_start3A_202] : memref<4x128x128xf32, #tpu.memory_space<vmem>> -> memref<1x128x128xf32, #tpu.memory_space<vmem>>
    %dma_start3A_204 = tpu.memref_squeeze %dma_start3A_203 : memref<1x128x128xf32, #tpu.memory_space<vmem>> -> memref<128x128xf32, #tpu.memory_space<vmem>>
    tpu.enqueue_dma source(%dma_start3A_204 : memref<128x128xf32, #tpu.memory_space<vmem>>) target(%dma_start3A_200 : memref<128x128xf32, #tpu.memory_space<hbm>>) target_semaphore(%arg17 : memref<!tpu.dma_semaphore, #tpu.memory_space<semaphore_mem>>)
    %dma_wait3A_205 = arith.constant 0 : i32
    %dma_wait3A_206 = arith.constant 0 : i32
    %dma_wait3A_207 = arith.constant 0 : i32
    %dma_wait3A_208 = tpu.memref_slice %arg9[%dma_wait3A_205, %dma_wait3A_206, %dma_wait3A_207] : memref<4x128x128xf32, #tpu.memory_space<vmem>> -> memref<1x128x128xf32, #tpu.memory_space<vmem>>
    %dma_wait3A_209 = tpu.memref_squeeze %dma_wait3A_208 : memref<1x128x128xf32, #tpu.memory_space<vmem>> -> memref<128x128xf32, #tpu.memory_space<vmem>>
    %dma_wait3A_210 = arith.constant 0 : i32
    %dma_wait3A_211 = tpu.memref_slice %arg6[%add3A_110, %dma_wait3A_210] : memref<8192x128xf32, #tpu.memory_space<hbm>> -> memref<128x128xf32, #tpu.memory_space<hbm>>
    %dma_wait3A_212 = arith.constant 0 : i32
    %dma_wait3A_213 = tpu.memref_slice %arg6[%add3A_110, %dma_wait3A_212] : memref<8192x128xf32, #tpu.memory_space<hbm>> -> memref<128x128xf32, #tpu.memory_space<hbm>>
    %dma_wait3A_214 = arith.constant 0 : i32
    %dma_wait3A_215 = arith.constant 0 : i32
    %dma_wait3A_216 = tpu.memref_slice %arg9[%dma_wait3A_205, %dma_wait3A_214, %dma_wait3A_215] : memref<4x128x128xf32, #tpu.memory_space<vmem>> -> memref<1x128x128xf32, #tpu.memory_space<vmem>>
    %dma_wait3A_217 = tpu.memref_squeeze %dma_wait3A_216 : memref<1x128x128xf32, #tpu.memory_space<vmem>> -> memref<128x128xf32, #tpu.memory_space<vmem>>
    tpu.wait_dma2 semaphore(%arg14 : memref<!tpu.dma_semaphore, #tpu.memory_space<semaphore_mem>>) src(%dma_wait3A_217 : memref<128x128xf32, #tpu.memory_space<vmem>>) dst(%dma_wait3A_213 : memref<128x128xf32, #tpu.memory_space<hbm>>)
    %dma_wait3A_218 = arith.constant 1 : i32
    %dma_wait3A_219 = arith.constant 0 : i32
    %dma_wait3A_220 = arith.constant 0 : i32
    %dma_wait3A_221 = tpu.memref_slice %arg9[%dma_wait3A_218, %dma_wait3A_219, %dma_wait3A_220] : memref<4x128x128xf32, #tpu.memory_space<vmem>> -> memref<1x128x128xf32, #tpu.memory_space<vmem>>
    %dma_wait3A_222 = tpu.memref_squeeze %dma_wait3A_221 : memref<1x128x128xf32, #tpu.memory_space<vmem>> -> memref<128x128xf32, #tpu.memory_space<vmem>>
    %dma_wait3A_223 = arith.constant 0 : i32
    %dma_wait3A_224 = tpu.memref_slice %arg6[%add3A_137, %dma_wait3A_223] : memref<8192x128xf32, #tpu.memory_space<hbm>> -> memref<128x128xf32, #tpu.memory_space<hbm>>
    %dma_wait3A_225 = arith.constant 0 : i32
    %dma_wait3A_226 = tpu.memref_slice %arg6[%add3A_137, %dma_wait3A_225] : memref<8192x128xf32, #tpu.memory_space<hbm>> -> memref<128x128xf32, #tpu.memory_space<hbm>>
    %dma_wait3A_227 = arith.constant 0 : i32
    %dma_wait3A_228 = arith.constant 0 : i32
    %dma_wait3A_229 = tpu.memref_slice %arg9[%dma_wait3A_218, %dma_wait3A_227, %dma_wait3A_228] : memref<4x128x128xf32, #tpu.memory_space<vmem>> -> memref<1x128x128xf32, #tpu.memory_space<vmem>>
    %dma_wait3A_230 = tpu.memref_squeeze %dma_wait3A_229 : memref<1x128x128xf32, #tpu.memory_space<vmem>> -> memref<128x128xf32, #tpu.memory_space<vmem>>
    tpu.wait_dma2 semaphore(%arg15 : memref<!tpu.dma_semaphore, #tpu.memory_space<semaphore_mem>>) src(%dma_wait3A_230 : memref<128x128xf32, #tpu.memory_space<vmem>>) dst(%dma_wait3A_226 : memref<128x128xf32, #tpu.memory_space<hbm>>)
    %dma_wait3A_231 = arith.constant 2 : i32
    %dma_wait3A_232 = arith.constant 0 : i32
    %dma_wait3A_233 = arith.constant 0 : i32
    %dma_wait3A_234 = tpu.memref_slice %arg9[%dma_wait3A_231, %dma_wait3A_232, %dma_wait3A_233] : memref<4x128x128xf32, #tpu.memory_space<vmem>> -> memref<1x128x128xf32, #tpu.memory_space<vmem>>
    %dma_wait3A_235 = tpu.memref_squeeze %dma_wait3A_234 : memref<1x128x128xf32, #tpu.memory_space<vmem>> -> memref<128x128xf32, #tpu.memory_space<vmem>>
    %dma_wait3A_236 = arith.constant 0 : i32
    %dma_wait3A_237 = tpu.memref_slice %arg7[%add3A_164, %dma_wait3A_236] : memref<8192x128xf32, #tpu.memory_space<hbm>> -> memref<128x128xf32, #tpu.memory_space<hbm>>
    %dma_wait3A_238 = arith.constant 0 : i32
    %dma_wait3A_239 = tpu.memref_slice %arg7[%add3A_164, %dma_wait3A_238] : memref<8192x128xf32, #tpu.memory_space<hbm>> -> memref<128x128xf32, #tpu.memory_space<hbm>>
    %dma_wait3A_240 = arith.constant 0 : i32
    %dma_wait3A_241 = arith.constant 0 : i32
    %dma_wait3A_242 = tpu.memref_slice %arg9[%dma_wait3A_231, %dma_wait3A_240, %dma_wait3A_241] : memref<4x128x128xf32, #tpu.memory_space<vmem>> -> memref<1x128x128xf32, #tpu.memory_space<vmem>>
    %dma_wait3A_243 = tpu.memref_squeeze %dma_wait3A_242 : memref<1x128x128xf32, #tpu.memory_space<vmem>> -> memref<128x128xf32, #tpu.memory_space<vmem>>
    tpu.wait_dma2 semaphore(%arg16 : memref<!tpu.dma_semaphore, #tpu.memory_space<semaphore_mem>>) src(%dma_wait3A_243 : memref<128x128xf32, #tpu.memory_space<vmem>>) dst(%dma_wait3A_239 : memref<128x128xf32, #tpu.memory_space<hbm>>)
    %dma_wait3A_244 = arith.constant 3 : i32
    %dma_wait3A_245 = arith.constant 0 : i32
    %dma_wait3A_246 = arith.constant 0 : i32
    %dma_wait3A_247 = tpu.memref_slice %arg9[%dma_wait3A_244, %dma_wait3A_245, %dma_wait3A_246] : memref<4x128x128xf32, #tpu.memory_space<vmem>> -> memref<1x128x128xf32, #tpu.memory_space<vmem>>
    %dma_wait3A_248 = tpu.memref_squeeze %dma_wait3A_247 : memref<1x128x128xf32, #tpu.memory_space<vmem>> -> memref<128x128xf32, #tpu.memory_space<vmem>>
    %dma_wait3A_249 = arith.constant 0 : i32
    %dma_wait3A_250 = tpu.memref_slice %arg7[%add3A_191, %dma_wait3A_249] : memref<8192x128xf32, #tpu.memory_space<hbm>> -> memref<128x128xf32, #tpu.memory_space<hbm>>
    %dma_wait3A_251 = arith.constant 0 : i32
    %dma_wait3A_252 = tpu.memref_slice %arg7[%add3A_191, %dma_wait3A_251] : memref<8192x128xf32, #tpu.memory_space<hbm>> -> memref<128x128xf32, #tpu.memory_space<hbm>>
    %dma_wait3A_253 = arith.constant 0 : i32
    %dma_wait3A_254 = arith.constant 0 : i32
    %dma_wait3A_255 = tpu.memref_slice %arg9[%dma_wait3A_244, %dma_wait3A_253, %dma_wait3A_254] : memref<4x128x128xf32, #tpu.memory_space<vmem>> -> memref<1x128x128xf32, #tpu.memory_space<vmem>>
    %dma_wait3A_256 = tpu.memref_squeeze %dma_wait3A_255 : memref<1x128x128xf32, #tpu.memory_space<vmem>> -> memref<128x128xf32, #tpu.memory_space<vmem>>
    tpu.wait_dma2 semaphore(%arg17 : memref<!tpu.dma_semaphore, #tpu.memory_space<semaphore_mem>>) src(%dma_wait3A_256 : memref<128x128xf32, #tpu.memory_space<vmem>>) dst(%dma_wait3A_252 : memref<128x128xf32, #tpu.memory_space<hbm>>)
    return
  }
}

module attributes {stable_mosaic.version = 14 : i64} {
  func.func @_mlp_body_aliased(%arg0: i32, %arg1: memref<4096x128xf32, #tpu.memory_space<vmem>>, %arg2: memref<4096x128xf32, #tpu.memory_space<vmem>>, %arg3: memref<128x128xf32, #tpu.memory_space<vmem>>, %arg4: memref<1x128xf32, #tpu.memory_space<vmem>>, %arg5: memref<128x128xf32, #tpu.memory_space<vmem>>, %arg6: memref<1x128xf32, #tpu.memory_space<vmem>>, %arg7: memref<128x128xf32, #tpu.memory_space<any>>, %arg8: memref<16384x128xf32, #tpu.memory_space<any>>, %arg9: memref<16384x128xf32, #tpu.memory_space<any>>, %arg10: memref<32x128xf32, #tpu.memory_space<vmem>>, %arg11: memref<4096x128xf32, #tpu.memory_space<vmem>>, %arg12: memref<4096x128xf32, #tpu.memory_space<vmem>>) attributes {dimension_semantics = [#tpu.dimension_semantics<arbitrary>], iteration_bounds = array<i64: 2>, scalar_prefetch = 0 : i64, scratch_operands = 0 : i64, tpu.core_type = #tpu.core_type<tc>, window_params = [{transform_indices = @transform_0, window_bounds = array<i64: 4096, 128>}, {transform_indices = @transform_1, window_bounds = array<i64: 4096, 128>}, {pipeline_mode = #tpu.pipeline_mode<synchronous>, transform_indices = @transform_2, window_bounds = array<i64: 128, 128>}, {pipeline_mode = #tpu.pipeline_mode<synchronous>, transform_indices = @transform_3, window_bounds = array<i64: 1, 128>}, {pipeline_mode = #tpu.pipeline_mode<synchronous>, transform_indices = @transform_4, window_bounds = array<i64: 128, 128>}, {pipeline_mode = #tpu.pipeline_mode<synchronous>, transform_indices = @transform_5, window_bounds = array<i64: 1, 128>}, {}, {}, {}, {transform_indices = @transform_9, window_bounds = array<i64: 32, 128>}, {transform_indices = @transform_10, window_bounds = array<i64: 4096, 128>}, {transform_indices = @transform_11, window_bounds = array<i64: 4096, 128>}]} {
    %get3A = arith.constant 0 : index
    %get3A_0 = arith.constant 0 : index
    %get3A_1 = vector.load %arg3[%get3A, %get3A_0] : memref<128x128xf32, #tpu.memory_space<vmem>>, vector<128x128xf32>
    %get3A_2 = arith.constant 0 : index
    %get3A_3 = arith.constant 0 : index
    %get3A_4 = vector.load %arg4[%get3A_2, %get3A_3] : memref<1x128xf32, #tpu.memory_space<vmem>>, vector<1x128xf32>
    %get3A_5 = arith.constant 0 : index
    %get3A_6 = arith.constant 0 : index
    %get3A_7 = vector.load %arg1[%get3A_5, %get3A_6] : memref<4096x128xf32, #tpu.memory_space<vmem>>, vector<4096x128xf32>
    %dot_general3A = arith.constant dense<0.000000e+00> : vector<4096x128xf32>
    %dot_general3A_8 = tpu.matmul %get3A_7, %get3A_1, %dot_general3A {dimension_numbers = #tpu.dot_dimension_numbers<[1], [0], [0], [1], [0, 0, 1, 1], [], []>, transpose_lhs_hint = false} : vector<4096x128xf32>, vector<128x128xf32>, vector<4096x128xf32> -> vector<4096x128xf32>
    %add3A = vector.broadcast %get3A_4 : vector<1x128xf32> to vector<4096x128xf32>
    %add3A_9 = arith.addf %dot_general3A_8, %add3A : vector<4096x128xf32>
    %max3A = arith.constant 0.000000e+00 : f32
    %max3A_10 = vector.broadcast %max3A : f32 to vector<4096x128xf32>
    %max3A_11 = arith.maximumf %add3A_9, %max3A_10 : vector<4096x128xf32>
    %dot_general3A_12 = arith.constant dense<0.000000e+00> : vector<4096x128xf32>
    %dot_general3A_13 = tpu.matmul %max3A_11, %get3A_1, %dot_general3A_12 {dimension_numbers = #tpu.dot_dimension_numbers<[1], [0], [0], [1], [0, 0, 1, 1], [], []>, transpose_lhs_hint = false} : vector<4096x128xf32>, vector<128x128xf32>, vector<4096x128xf32> -> vector<4096x128xf32>
    %add3A_14 = vector.broadcast %get3A_4 : vector<1x128xf32> to vector<4096x128xf32>
    %add3A_15 = arith.addf %dot_general3A_13, %add3A_14 : vector<4096x128xf32>
    %max3A_16 = arith.constant 0.000000e+00 : f32
    %max3A_17 = vector.broadcast %max3A_16 : f32 to vector<4096x128xf32>
    %max3A_18 = arith.maximumf %add3A_15, %max3A_17 : vector<4096x128xf32>
    %dot_general3A_19 = arith.constant dense<0.000000e+00> : vector<4096x128xf32>
    %dot_general3A_20 = tpu.matmul %max3A_18, %get3A_1, %dot_general3A_19 {dimension_numbers = #tpu.dot_dimension_numbers<[1], [0], [0], [1], [0, 0, 1, 1], [], []>, transpose_lhs_hint = false} : vector<4096x128xf32>, vector<128x128xf32>, vector<4096x128xf32> -> vector<4096x128xf32>
    %add3A_21 = vector.broadcast %get3A_4 : vector<1x128xf32> to vector<4096x128xf32>
    %add3A_22 = arith.addf %dot_general3A_20, %add3A_21 : vector<4096x128xf32>
    %max3A_23 = arith.constant 0.000000e+00 : f32
    %max3A_24 = vector.broadcast %max3A_23 : f32 to vector<4096x128xf32>
    %max3A_25 = arith.maximumf %add3A_22, %max3A_24 : vector<4096x128xf32>
    %dot_general3A_26 = arith.constant dense<0.000000e+00> : vector<4096x128xf32>
    %dot_general3A_27 = tpu.matmul %max3A_25, %get3A_1, %dot_general3A_26 {dimension_numbers = #tpu.dot_dimension_numbers<[1], [0], [0], [1], [0, 0, 1, 1], [], []>, transpose_lhs_hint = false} : vector<4096x128xf32>, vector<128x128xf32>, vector<4096x128xf32> -> vector<4096x128xf32>
    %add3A_28 = vector.broadcast %get3A_4 : vector<1x128xf32> to vector<4096x128xf32>
    %add3A_29 = arith.addf %dot_general3A_27, %add3A_28 : vector<4096x128xf32>
    %max3A_30 = arith.constant 0.000000e+00 : f32
    %max3A_31 = vector.broadcast %max3A_30 : f32 to vector<4096x128xf32>
    %max3A_32 = arith.maximumf %add3A_29, %max3A_31 : vector<4096x128xf32>
    %get3A_33 = arith.constant 0 : index
    %get3A_34 = arith.constant 0 : index
    %get3A_35 = vector.load %arg5[%get3A_33, %get3A_34] : memref<128x128xf32, #tpu.memory_space<vmem>>, vector<128x128xf32>
    %get3A_36 = arith.constant 0 : index
    %get3A_37 = arith.constant 0 : index
    %get3A_38 = vector.load %arg6[%get3A_36, %get3A_37] : memref<1x128xf32, #tpu.memory_space<vmem>>, vector<1x128xf32>
    %get3A_39 = arith.constant 0 : index
    %get3A_40 = arith.constant 0 : index
    %get3A_41 = vector.load %arg2[%get3A_39, %get3A_40] : memref<4096x128xf32, #tpu.memory_space<vmem>>, vector<4096x128xf32>
    %dot_general3A_42 = arith.constant dense<0.000000e+00> : vector<4096x128xf32>
    %dot_general3A_43 = tpu.matmul %get3A_41, %get3A_35, %dot_general3A_42 {dimension_numbers = #tpu.dot_dimension_numbers<[1], [0], [0], [1], [0, 0, 1, 1], [], []>, transpose_lhs_hint = false} : vector<4096x128xf32>, vector<128x128xf32>, vector<4096x128xf32> -> vector<4096x128xf32>
    %add3A_44 = vector.broadcast %get3A_38 : vector<1x128xf32> to vector<4096x128xf32>
    %add3A_45 = arith.addf %dot_general3A_43, %add3A_44 : vector<4096x128xf32>
    %max3A_46 = arith.constant 0.000000e+00 : f32
    %max3A_47 = vector.broadcast %max3A_46 : f32 to vector<4096x128xf32>
    %max3A_48 = arith.maximumf %add3A_45, %max3A_47 : vector<4096x128xf32>
    %dot_general3A_49 = arith.constant dense<0.000000e+00> : vector<4096x128xf32>
    %dot_general3A_50 = tpu.matmul %max3A_48, %get3A_35, %dot_general3A_49 {dimension_numbers = #tpu.dot_dimension_numbers<[1], [0], [0], [1], [0, 0, 1, 1], [], []>, transpose_lhs_hint = false} : vector<4096x128xf32>, vector<128x128xf32>, vector<4096x128xf32> -> vector<4096x128xf32>
    %add3A_51 = vector.broadcast %get3A_38 : vector<1x128xf32> to vector<4096x128xf32>
    %add3A_52 = arith.addf %dot_general3A_50, %add3A_51 : vector<4096x128xf32>
    %max3A_53 = arith.constant 0.000000e+00 : f32
    %max3A_54 = vector.broadcast %max3A_53 : f32 to vector<4096x128xf32>
    %max3A_55 = arith.maximumf %add3A_52, %max3A_54 : vector<4096x128xf32>
    %dot_general3A_56 = arith.constant dense<0.000000e+00> : vector<4096x128xf32>
    %dot_general3A_57 = tpu.matmul %max3A_55, %get3A_35, %dot_general3A_56 {dimension_numbers = #tpu.dot_dimension_numbers<[1], [0], [0], [1], [0, 0, 1, 1], [], []>, transpose_lhs_hint = false} : vector<4096x128xf32>, vector<128x128xf32>, vector<4096x128xf32> -> vector<4096x128xf32>
    %add3A_58 = vector.broadcast %get3A_38 : vector<1x128xf32> to vector<4096x128xf32>
    %add3A_59 = arith.addf %dot_general3A_57, %add3A_58 : vector<4096x128xf32>
    %max3A_60 = arith.constant 0.000000e+00 : f32
    %max3A_61 = vector.broadcast %max3A_60 : f32 to vector<4096x128xf32>
    %max3A_62 = arith.maximumf %add3A_59, %max3A_61 : vector<4096x128xf32>
    %dot_general3A_63 = arith.constant dense<0.000000e+00> : vector<4096x128xf32>
    %dot_general3A_64 = tpu.matmul %max3A_62, %get3A_35, %dot_general3A_63 {dimension_numbers = #tpu.dot_dimension_numbers<[1], [0], [0], [1], [0, 0, 1, 1], [], []>, transpose_lhs_hint = false} : vector<4096x128xf32>, vector<128x128xf32>, vector<4096x128xf32> -> vector<4096x128xf32>
    %add3A_65 = vector.broadcast %get3A_38 : vector<1x128xf32> to vector<4096x128xf32>
    %add3A_66 = arith.addf %dot_general3A_64, %add3A_65 : vector<4096x128xf32>
    %max3A_67 = arith.constant 0.000000e+00 : f32
    %max3A_68 = vector.broadcast %max3A_67 : f32 to vector<4096x128xf32>
    %max3A_69 = arith.maximumf %add3A_66, %max3A_68 : vector<4096x128xf32>
    %swap3A = arith.constant 0 : index
    %swap3A_70 = arith.constant 0 : index
    %swap3A_71 = vector.load %arg11[%swap3A, %swap3A_70] : memref<4096x128xf32, #tpu.memory_space<vmem>>, vector<4096x128xf32>
    tpu.vector_store %arg11[%swap3A, %swap3A_70], %max3A_32 {strides = array<i32>} : memref<4096x128xf32, #tpu.memory_space<vmem>>, vector<4096x128xf32>,
    %swap3A_72 = arith.constant 0 : index
    %swap3A_73 = arith.constant 0 : index
    %swap3A_74 = vector.load %arg12[%swap3A_72, %swap3A_73] : memref<4096x128xf32, #tpu.memory_space<vmem>>, vector<4096x128xf32>
    tpu.vector_store %arg12[%swap3A_72, %swap3A_73], %max3A_69 {strides = array<i32>} : memref<4096x128xf32, #tpu.memory_space<vmem>>, vector<4096x128xf32>,
    %mul3A = arith.mulf %max3A_32, %max3A_69 : vector<4096x128xf32>
    %broadcast_in_dim3A = arith.constant 1.000000e+00 : f32
    %broadcast_in_dim3A_75 = vector.broadcast %broadcast_in_dim3A : f32 to vector<1x128xf32>
    %slice3A = vector.extract_strided_slice %mul3A {offsets = [0, 0], sizes = [128, 128], strides = [1, 1]} : vector<4096x128xf32> to vector<128x128xf32>
    %dot_general3A_76 = arith.constant dense<0.000000e+00> : vector<1x128xf32>
    %dot_general3A_77 = tpu.matmul %broadcast_in_dim3A_75, %slice3A, %dot_general3A_76 {dimension_numbers = #tpu.dot_dimension_numbers<[1], [1], [0], [0], [0, 0, 1, 0], [], []>, transpose_lhs_hint = false} : vector<1x128xf32>, vector<128x128xf32>, vector<1x128xf32> -> vector<1x128xf32>
    %slice3A_78 = vector.extract_strided_slice %mul3A {offsets = [128, 0], sizes = [128, 128], strides = [1, 1]} : vector<4096x128xf32> to vector<128x128xf32>
    %dot_general3A_79 = arith.constant dense<0.000000e+00> : vector<1x128xf32>
    %dot_general3A_80 = tpu.matmul %broadcast_in_dim3A_75, %slice3A_78, %dot_general3A_79 {dimension_numbers = #tpu.dot_dimension_numbers<[1], [1], [0], [0], [0, 0, 1, 0], [], []>, transpose_lhs_hint = false} : vector<1x128xf32>, vector<128x128xf32>, vector<1x128xf32> -> vector<1x128xf32>
    %slice3A_81 = vector.extract_strided_slice %mul3A {offsets = [256, 0], sizes = [128, 128], strides = [1, 1]} : vector<4096x128xf32> to vector<128x128xf32>
    %dot_general3A_82 = arith.constant dense<0.000000e+00> : vector<1x128xf32>
    %dot_general3A_83 = tpu.matmul %broadcast_in_dim3A_75, %slice3A_81, %dot_general3A_82 {dimension_numbers = #tpu.dot_dimension_numbers<[1], [1], [0], [0], [0, 0, 1, 0], [], []>, transpose_lhs_hint = false} : vector<1x128xf32>, vector<128x128xf32>, vector<1x128xf32> -> vector<1x128xf32>
    %slice3A_84 = vector.extract_strided_slice %mul3A {offsets = [384, 0], sizes = [128, 128], strides = [1, 1]} : vector<4096x128xf32> to vector<128x128xf32>
    %dot_general3A_85 = arith.constant dense<0.000000e+00> : vector<1x128xf32>
    %dot_general3A_86 = tpu.matmul %broadcast_in_dim3A_75, %slice3A_84, %dot_general3A_85 {dimension_numbers = #tpu.dot_dimension_numbers<[1], [1], [0], [0], [0, 0, 1, 0], [], []>, transpose_lhs_hint = false} : vector<1x128xf32>, vector<128x128xf32>, vector<1x128xf32> -> vector<1x128xf32>
    %slice3A_87 = vector.extract_strided_slice %mul3A {offsets = [512, 0], sizes = [128, 128], strides = [1, 1]} : vector<4096x128xf32> to vector<128x128xf32>
    %dot_general3A_88 = arith.constant dense<0.000000e+00> : vector<1x128xf32>
    %dot_general3A_89 = tpu.matmul %broadcast_in_dim3A_75, %slice3A_87, %dot_general3A_88 {dimension_numbers = #tpu.dot_dimension_numbers<[1], [1], [0], [0], [0, 0, 1, 0], [], []>, transpose_lhs_hint = false} : vector<1x128xf32>, vector<128x128xf32>, vector<1x128xf32> -> vector<1x128xf32>
    %slice3A_90 = vector.extract_strided_slice %mul3A {offsets = [640, 0], sizes = [128, 128], strides = [1, 1]} : vector<4096x128xf32> to vector<128x128xf32>
    %dot_general3A_91 = arith.constant dense<0.000000e+00> : vector<1x128xf32>
    %dot_general3A_92 = tpu.matmul %broadcast_in_dim3A_75, %slice3A_90, %dot_general3A_91 {dimension_numbers = #tpu.dot_dimension_numbers<[1], [1], [0], [0], [0, 0, 1, 0], [], []>, transpose_lhs_hint = false} : vector<1x128xf32>, vector<128x128xf32>, vector<1x128xf32> -> vector<1x128xf32>
    %slice3A_93 = vector.extract_strided_slice %mul3A {offsets = [768, 0], sizes = [128, 128], strides = [1, 1]} : vector<4096x128xf32> to vector<128x128xf32>
    %dot_general3A_94 = arith.constant dense<0.000000e+00> : vector<1x128xf32>
    %dot_general3A_95 = tpu.matmul %broadcast_in_dim3A_75, %slice3A_93, %dot_general3A_94 {dimension_numbers = #tpu.dot_dimension_numbers<[1], [1], [0], [0], [0, 0, 1, 0], [], []>, transpose_lhs_hint = false} : vector<1x128xf32>, vector<128x128xf32>, vector<1x128xf32> -> vector<1x128xf32>
    %slice3A_96 = vector.extract_strided_slice %mul3A {offsets = [896, 0], sizes = [128, 128], strides = [1, 1]} : vector<4096x128xf32> to vector<128x128xf32>
    %dot_general3A_97 = arith.constant dense<0.000000e+00> : vector<1x128xf32>
    %dot_general3A_98 = tpu.matmul %broadcast_in_dim3A_75, %slice3A_96, %dot_general3A_97 {dimension_numbers = #tpu.dot_dimension_numbers<[1], [1], [0], [0], [0, 0, 1, 0], [], []>, transpose_lhs_hint = false} : vector<1x128xf32>, vector<128x128xf32>, vector<1x128xf32> -> vector<1x128xf32>
    %slice3A_99 = vector.extract_strided_slice %mul3A {offsets = [1024, 0], sizes = [128, 128], strides = [1, 1]} : vector<4096x128xf32> to vector<128x128xf32>
    %dot_general3A_100 = arith.constant dense<0.000000e+00> : vector<1x128xf32>
    %dot_general3A_101 = tpu.matmul %broadcast_in_dim3A_75, %slice3A_99, %dot_general3A_100 {dimension_numbers = #tpu.dot_dimension_numbers<[1], [1], [0], [0], [0, 0, 1, 0], [], []>, transpose_lhs_hint = false} : vector<1x128xf32>, vector<128x128xf32>, vector<1x128xf32> -> vector<1x128xf32>
    %slice3A_102 = vector.extract_strided_slice %mul3A {offsets = [1152, 0], sizes = [128, 128], strides = [1, 1]} : vector<4096x128xf32> to vector<128x128xf32>
    %dot_general3A_103 = arith.constant dense<0.000000e+00> : vector<1x128xf32>
    %dot_general3A_104 = tpu.matmul %broadcast_in_dim3A_75, %slice3A_102, %dot_general3A_103 {dimension_numbers = #tpu.dot_dimension_numbers<[1], [1], [0], [0], [0, 0, 1, 0], [], []>, transpose_lhs_hint = false} : vector<1x128xf32>, vector<128x128xf32>, vector<1x128xf32> -> vector<1x128xf32>
    %slice3A_105 = vector.extract_strided_slice %mul3A {offsets = [1280, 0], sizes = [128, 128], strides = [1, 1]} : vector<4096x128xf32> to vector<128x128xf32>
    %dot_general3A_106 = arith.constant dense<0.000000e+00> : vector<1x128xf32>
    %dot_general3A_107 = tpu.matmul %broadcast_in_dim3A_75, %slice3A_105, %dot_general3A_106 {dimension_numbers = #tpu.dot_dimension_numbers<[1], [1], [0], [0], [0, 0, 1, 0], [], []>, transpose_lhs_hint = false} : vector<1x128xf32>, vector<128x128xf32>, vector<1x128xf32> -> vector<1x128xf32>
    %slice3A_108 = vector.extract_strided_slice %mul3A {offsets = [1408, 0], sizes = [128, 128], strides = [1, 1]} : vector<4096x128xf32> to vector<128x128xf32>
    %dot_general3A_109 = arith.constant dense<0.000000e+00> : vector<1x128xf32>
    %dot_general3A_110 = tpu.matmul %broadcast_in_dim3A_75, %slice3A_108, %dot_general3A_109 {dimension_numbers = #tpu.dot_dimension_numbers<[1], [1], [0], [0], [0, 0, 1, 0], [], []>, transpose_lhs_hint = false} : vector<1x128xf32>, vector<128x128xf32>, vector<1x128xf32> -> vector<1x128xf32>
    %slice3A_111 = vector.extract_strided_slice %mul3A {offsets = [1536, 0], sizes = [128, 128], strides = [1, 1]} : vector<4096x128xf32> to vector<128x128xf32>
    %dot_general3A_112 = arith.constant dense<0.000000e+00> : vector<1x128xf32>
    %dot_general3A_113 = tpu.matmul %broadcast_in_dim3A_75, %slice3A_111, %dot_general3A_112 {dimension_numbers = #tpu.dot_dimension_numbers<[1], [1], [0], [0], [0, 0, 1, 0], [], []>, transpose_lhs_hint = false} : vector<1x128xf32>, vector<128x128xf32>, vector<1x128xf32> -> vector<1x128xf32>
    %slice3A_114 = vector.extract_strided_slice %mul3A {offsets = [1664, 0], sizes = [128, 128], strides = [1, 1]} : vector<4096x128xf32> to vector<128x128xf32>
    %dot_general3A_115 = arith.constant dense<0.000000e+00> : vector<1x128xf32>
    %dot_general3A_116 = tpu.matmul %broadcast_in_dim3A_75, %slice3A_114, %dot_general3A_115 {dimension_numbers = #tpu.dot_dimension_numbers<[1], [1], [0], [0], [0, 0, 1, 0], [], []>, transpose_lhs_hint = false} : vector<1x128xf32>, vector<128x128xf32>, vector<1x128xf32> -> vector<1x128xf32>
    %slice3A_117 = vector.extract_strided_slice %mul3A {offsets = [1792, 0], sizes = [128, 128], strides = [1, 1]} : vector<4096x128xf32> to vector<128x128xf32>
    %dot_general3A_118 = arith.constant dense<0.000000e+00> : vector<1x128xf32>
    %dot_general3A_119 = tpu.matmul %broadcast_in_dim3A_75, %slice3A_117, %dot_general3A_118 {dimension_numbers = #tpu.dot_dimension_numbers<[1], [1], [0], [0], [0, 0, 1, 0], [], []>, transpose_lhs_hint = false} : vector<1x128xf32>, vector<128x128xf32>, vector<1x128xf32> -> vector<1x128xf32>
    %slice3A_120 = vector.extract_strided_slice %mul3A {offsets = [1920, 0], sizes = [128, 128], strides = [1, 1]} : vector<4096x128xf32> to vector<128x128xf32>
    %dot_general3A_121 = arith.constant dense<0.000000e+00> : vector<1x128xf32>
    %dot_general3A_122 = tpu.matmul %broadcast_in_dim3A_75, %slice3A_120, %dot_general3A_121 {dimension_numbers = #tpu.dot_dimension_numbers<[1], [1], [0], [0], [0, 0, 1, 0], [], []>, transpose_lhs_hint = false} : vector<1x128xf32>, vector<128x128xf32>, vector<1x128xf32> -> vector<1x128xf32>
    %slice3A_123 = vector.extract_strided_slice %mul3A {offsets = [2048, 0], sizes = [128, 128], strides = [1, 1]} : vector<4096x128xf32> to vector<128x128xf32>
    %dot_general3A_124 = arith.constant dense<0.000000e+00> : vector<1x128xf32>
    %dot_general3A_125 = tpu.matmul %broadcast_in_dim3A_75, %slice3A_123, %dot_general3A_124 {dimension_numbers = #tpu.dot_dimension_numbers<[1], [1], [0], [0], [0, 0, 1, 0], [], []>, transpose_lhs_hint = false} : vector<1x128xf32>, vector<128x128xf32>, vector<1x128xf32> -> vector<1x128xf32>
    %slice3A_126 = vector.extract_strided_slice %mul3A {offsets = [2176, 0], sizes = [128, 128], strides = [1, 1]} : vector<4096x128xf32> to vector<128x128xf32>
    %dot_general3A_127 = arith.constant dense<0.000000e+00> : vector<1x128xf32>
    %dot_general3A_128 = tpu.matmul %broadcast_in_dim3A_75, %slice3A_126, %dot_general3A_127 {dimension_numbers = #tpu.dot_dimension_numbers<[1], [1], [0], [0], [0, 0, 1, 0], [], []>, transpose_lhs_hint = false} : vector<1x128xf32>, vector<128x128xf32>, vector<1x128xf32> -> vector<1x128xf32>
    %slice3A_129 = vector.extract_strided_slice %mul3A {offsets = [2304, 0], sizes = [128, 128], strides = [1, 1]} : vector<4096x128xf32> to vector<128x128xf32>
    %dot_general3A_130 = arith.constant dense<0.000000e+00> : vector<1x128xf32>
    %dot_general3A_131 = tpu.matmul %broadcast_in_dim3A_75, %slice3A_129, %dot_general3A_130 {dimension_numbers = #tpu.dot_dimension_numbers<[1], [1], [0], [0], [0, 0, 1, 0], [], []>, transpose_lhs_hint = false} : vector<1x128xf32>, vector<128x128xf32>, vector<1x128xf32> -> vector<1x128xf32>
    %slice3A_132 = vector.extract_strided_slice %mul3A {offsets = [2432, 0], sizes = [128, 128], strides = [1, 1]} : vector<4096x128xf32> to vector<128x128xf32>
    %dot_general3A_133 = arith.constant dense<0.000000e+00> : vector<1x128xf32>
    %dot_general3A_134 = tpu.matmul %broadcast_in_dim3A_75, %slice3A_132, %dot_general3A_133 {dimension_numbers = #tpu.dot_dimension_numbers<[1], [1], [0], [0], [0, 0, 1, 0], [], []>, transpose_lhs_hint = false} : vector<1x128xf32>, vector<128x128xf32>, vector<1x128xf32> -> vector<1x128xf32>
    %slice3A_135 = vector.extract_strided_slice %mul3A {offsets = [2560, 0], sizes = [128, 128], strides = [1, 1]} : vector<4096x128xf32> to vector<128x128xf32>
    %dot_general3A_136 = arith.constant dense<0.000000e+00> : vector<1x128xf32>
    %dot_general3A_137 = tpu.matmul %broadcast_in_dim3A_75, %slice3A_135, %dot_general3A_136 {dimension_numbers = #tpu.dot_dimension_numbers<[1], [1], [0], [0], [0, 0, 1, 0], [], []>, transpose_lhs_hint = false} : vector<1x128xf32>, vector<128x128xf32>, vector<1x128xf32> -> vector<1x128xf32>
    %slice3A_138 = vector.extract_strided_slice %mul3A {offsets = [2688, 0], sizes = [128, 128], strides = [1, 1]} : vector<4096x128xf32> to vector<128x128xf32>
    %dot_general3A_139 = arith.constant dense<0.000000e+00> : vector<1x128xf32>
    %dot_general3A_140 = tpu.matmul %broadcast_in_dim3A_75, %slice3A_138, %dot_general3A_139 {dimension_numbers = #tpu.dot_dimension_numbers<[1], [1], [0], [0], [0, 0, 1, 0], [], []>, transpose_lhs_hint = false} : vector<1x128xf32>, vector<128x128xf32>, vector<1x128xf32> -> vector<1x128xf32>
    %slice3A_141 = vector.extract_strided_slice %mul3A {offsets = [2816, 0], sizes = [128, 128], strides = [1, 1]} : vector<4096x128xf32> to vector<128x128xf32>
    %dot_general3A_142 = arith.constant dense<0.000000e+00> : vector<1x128xf32>
    %dot_general3A_143 = tpu.matmul %broadcast_in_dim3A_75, %slice3A_141, %dot_general3A_142 {dimension_numbers = #tpu.dot_dimension_numbers<[1], [1], [0], [0], [0, 0, 1, 0], [], []>, transpose_lhs_hint = false} : vector<1x128xf32>, vector<128x128xf32>, vector<1x128xf32> -> vector<1x128xf32>
    %slice3A_144 = vector.extract_strided_slice %mul3A {offsets = [2944, 0], sizes = [128, 128], strides = [1, 1]} : vector<4096x128xf32> to vector<128x128xf32>
    %dot_general3A_145 = arith.constant dense<0.000000e+00> : vector<1x128xf32>
    %dot_general3A_146 = tpu.matmul %broadcast_in_dim3A_75, %slice3A_144, %dot_general3A_145 {dimension_numbers = #tpu.dot_dimension_numbers<[1], [1], [0], [0], [0, 0, 1, 0], [], []>, transpose_lhs_hint = false} : vector<1x128xf32>, vector<128x128xf32>, vector<1x128xf32> -> vector<1x128xf32>
    %slice3A_147 = vector.extract_strided_slice %mul3A {offsets = [3072, 0], sizes = [128, 128], strides = [1, 1]} : vector<4096x128xf32> to vector<128x128xf32>
    %dot_general3A_148 = arith.constant dense<0.000000e+00> : vector<1x128xf32>
    %dot_general3A_149 = tpu.matmul %broadcast_in_dim3A_75, %slice3A_147, %dot_general3A_148 {dimension_numbers = #tpu.dot_dimension_numbers<[1], [1], [0], [0], [0, 0, 1, 0], [], []>, transpose_lhs_hint = false} : vector<1x128xf32>, vector<128x128xf32>, vector<1x128xf32> -> vector<1x128xf32>
    %slice3A_150 = vector.extract_strided_slice %mul3A {offsets = [3200, 0], sizes = [128, 128], strides = [1, 1]} : vector<4096x128xf32> to vector<128x128xf32>
    %dot_general3A_151 = arith.constant dense<0.000000e+00> : vector<1x128xf32>
    %dot_general3A_152 = tpu.matmul %broadcast_in_dim3A_75, %slice3A_150, %dot_general3A_151 {dimension_numbers = #tpu.dot_dimension_numbers<[1], [1], [0], [0], [0, 0, 1, 0], [], []>, transpose_lhs_hint = false} : vector<1x128xf32>, vector<128x128xf32>, vector<1x128xf32> -> vector<1x128xf32>
    %slice3A_153 = vector.extract_strided_slice %mul3A {offsets = [3328, 0], sizes = [128, 128], strides = [1, 1]} : vector<4096x128xf32> to vector<128x128xf32>
    %dot_general3A_154 = arith.constant dense<0.000000e+00> : vector<1x128xf32>
    %dot_general3A_155 = tpu.matmul %broadcast_in_dim3A_75, %slice3A_153, %dot_general3A_154 {dimension_numbers = #tpu.dot_dimension_numbers<[1], [1], [0], [0], [0, 0, 1, 0], [], []>, transpose_lhs_hint = false} : vector<1x128xf32>, vector<128x128xf32>, vector<1x128xf32> -> vector<1x128xf32>
    %slice3A_156 = vector.extract_strided_slice %mul3A {offsets = [3456, 0], sizes = [128, 128], strides = [1, 1]} : vector<4096x128xf32> to vector<128x128xf32>
    %dot_general3A_157 = arith.constant dense<0.000000e+00> : vector<1x128xf32>
    %dot_general3A_158 = tpu.matmul %broadcast_in_dim3A_75, %slice3A_156, %dot_general3A_157 {dimension_numbers = #tpu.dot_dimension_numbers<[1], [1], [0], [0], [0, 0, 1, 0], [], []>, transpose_lhs_hint = false} : vector<1x128xf32>, vector<128x128xf32>, vector<1x128xf32> -> vector<1x128xf32>
    %slice3A_159 = vector.extract_strided_slice %mul3A {offsets = [3584, 0], sizes = [128, 128], strides = [1, 1]} : vector<4096x128xf32> to vector<128x128xf32>
    %dot_general3A_160 = arith.constant dense<0.000000e+00> : vector<1x128xf32>
    %dot_general3A_161 = tpu.matmul %broadcast_in_dim3A_75, %slice3A_159, %dot_general3A_160 {dimension_numbers = #tpu.dot_dimension_numbers<[1], [1], [0], [0], [0, 0, 1, 0], [], []>, transpose_lhs_hint = false} : vector<1x128xf32>, vector<128x128xf32>, vector<1x128xf32> -> vector<1x128xf32>
    %slice3A_162 = vector.extract_strided_slice %mul3A {offsets = [3712, 0], sizes = [128, 128], strides = [1, 1]} : vector<4096x128xf32> to vector<128x128xf32>
    %dot_general3A_163 = arith.constant dense<0.000000e+00> : vector<1x128xf32>
    %dot_general3A_164 = tpu.matmul %broadcast_in_dim3A_75, %slice3A_162, %dot_general3A_163 {dimension_numbers = #tpu.dot_dimension_numbers<[1], [1], [0], [0], [0, 0, 1, 0], [], []>, transpose_lhs_hint = false} : vector<1x128xf32>, vector<128x128xf32>, vector<1x128xf32> -> vector<1x128xf32>
    %slice3A_165 = vector.extract_strided_slice %mul3A {offsets = [3840, 0], sizes = [128, 128], strides = [1, 1]} : vector<4096x128xf32> to vector<128x128xf32>
    %dot_general3A_166 = arith.constant dense<0.000000e+00> : vector<1x128xf32>
    %dot_general3A_167 = tpu.matmul %broadcast_in_dim3A_75, %slice3A_165, %dot_general3A_166 {dimension_numbers = #tpu.dot_dimension_numbers<[1], [1], [0], [0], [0, 0, 1, 0], [], []>, transpose_lhs_hint = false} : vector<1x128xf32>, vector<128x128xf32>, vector<1x128xf32> -> vector<1x128xf32>
    %slice3A_168 = vector.extract_strided_slice %mul3A {offsets = [3968, 0], sizes = [128, 128], strides = [1, 1]} : vector<4096x128xf32> to vector<128x128xf32>
    %dot_general3A_169 = arith.constant dense<0.000000e+00> : vector<1x128xf32>
    %dot_general3A_170 = tpu.matmul %broadcast_in_dim3A_75, %slice3A_168, %dot_general3A_169 {dimension_numbers = #tpu.dot_dimension_numbers<[1], [1], [0], [0], [0, 0, 1, 0], [], []>, transpose_lhs_hint = false} : vector<1x128xf32>, vector<128x128xf32>, vector<1x128xf32> -> vector<1x128xf32>
    %concatenate3A = tpu.concatenate %dot_general3A_77, %dot_general3A_80, %dot_general3A_83, %dot_general3A_86, %dot_general3A_89, %dot_general3A_92, %dot_general3A_95, %dot_general3A_98, %dot_general3A_101, %dot_general3A_104, %dot_general3A_107, %dot_general3A_110, %dot_general3A_113, %dot_general3A_116, %dot_general3A_119, %dot_general3A_122, %dot_general3A_125, %dot_general3A_128, %dot_general3A_131, %dot_general3A_134, %dot_general3A_137, %dot_general3A_140, %dot_general3A_143, %dot_general3A_146, %dot_general3A_149, %dot_general3A_152, %dot_general3A_155, %dot_general3A_158, %dot_general3A_161, %dot_general3A_164, %dot_general3A_167, %dot_general3A_170 in 0 : vector<1x128xf32>, vector<1x128xf32>, vector<1x128xf32>, vector<1x128xf32>, vector<1x128xf32>, vector<1x128xf32>, vector<1x128xf32>, vector<1x128xf32>, vector<1x128xf32>, vector<1x128xf32>, vector<1x128xf32>, vector<1x128xf32>, vector<1x128xf32>, vector<1x128xf32>, vector<1x128xf32>, vector<1x128xf32>, vector<1x128xf32>, vector<1x128xf32>, vector<1x128xf32>, vector<1x128xf32>, vector<1x128xf32>, vector<1x128xf32>, vector<1x128xf32>, vector<1x128xf32>, vector<1x128xf32>, vector<1x128xf32>, vector<1x128xf32>, vector<1x128xf32>, vector<1x128xf32>, vector<1x128xf32>, vector<1x128xf32>, vector<1x128xf32> -> vector<32x128xf32>
    %max3A_171 = arith.constant 0.000000e+00 : f32
    %max3A_172 = vector.broadcast %max3A_171 : f32 to vector<32x128xf32>
    %max3A_173 = arith.maximumf %concatenate3A, %max3A_172 : vector<32x128xf32>
    %swap3A_174 = arith.constant 0 : index
    %swap3A_175 = arith.constant 0 : index
    %swap3A_176 = vector.load %arg10[%swap3A_174, %swap3A_175] : memref<32x128xf32, #tpu.memory_space<vmem>>, vector<32x128xf32>
    tpu.vector_store %arg10[%swap3A_174, %swap3A_175], %max3A_173 {strides = array<i32>} : memref<32x128xf32, #tpu.memory_space<vmem>>, vector<32x128xf32>,
    return
  }
  func.func @transform_0(%arg0: i32) -> (i32, i32) {
    %c0_i32 = arith.constant 0 : i32
    %c0_i32_0 = arith.constant 0 : i32
    return %arg0, %c0_i32 : i32, i32
  }
  func.func @transform_1(%arg0: i32) -> (i32, i32) {
    %c0_i32 = arith.constant 0 : i32
    %c0_i32_0 = arith.constant 0 : i32
    return %arg0, %c0_i32 : i32, i32
  }
  func.func @transform_2(%arg0: i32) -> (i32, i32) {
    %c0_i32 = arith.constant 0 : i32
    %c0_i32_0 = arith.constant 0 : i32
    %c0_i32_1 = arith.constant 0 : i32
    return %c0_i32, %c0_i32_0 : i32, i32
  }
  func.func @transform_3(%arg0: i32) -> (i32, i32) {
    %c0_i32 = arith.constant 0 : i32
    %c0_i32_0 = arith.constant 0 : i32
    %c0_i32_1 = arith.constant 0 : i32
    return %c0_i32, %c0_i32_0 : i32, i32
  }
  func.func @transform_4(%arg0: i32) -> (i32, i32) {
    %c0_i32 = arith.constant 0 : i32
    %c0_i32_0 = arith.constant 0 : i32
    %c0_i32_1 = arith.constant 0 : i32
    return %c0_i32, %c0_i32_0 : i32, i32
  }
  func.func @transform_5(%arg0: i32) -> (i32, i32) {
    %c0_i32 = arith.constant 0 : i32
    %c0_i32_0 = arith.constant 0 : i32
    %c0_i32_1 = arith.constant 0 : i32
    return %c0_i32, %c0_i32_0 : i32, i32
  }
  func.func @transform_9(%arg0: i32) -> (i32, i32) {
    %add3A = arith.constant 2 : i32
    %add3A_0 = arith.addi %arg0, %add3A : i32
    %c0_i32 = arith.constant 0 : i32
    %c0_i32_1 = arith.constant 0 : i32
    return %add3A_0, %c0_i32 : i32, i32
  }
  func.func @transform_10(%arg0: i32) -> (i32, i32) {
    %add3A = arith.constant 2 : i32
    %add3A_0 = arith.addi %arg0, %add3A : i32
    %c0_i32 = arith.constant 0 : i32
    %c0_i32_1 = arith.constant 0 : i32
    return %add3A_0, %c0_i32 : i32, i32
  }
  func.func @transform_11(%arg0: i32) -> (i32, i32) {
    %add3A = arith.constant 2 : i32
    %add3A_0 = arith.addi %arg0, %add3A : i32
    %c0_i32 = arith.constant 0 : i32
    %c0_i32_1 = arith.constant 0 : i32
    return %add3A_0, %c0_i32 : i32, i32
  }
}

module attributes {stable_mosaic.version = 14 : i64} {
  func.func @_mlp_body(%arg0: i32, %arg1: memref<4096x128xf32, #tpu.memory_space<vmem>>, %arg2: memref<4096x128xf32, #tpu.memory_space<vmem>>, %arg3: memref<128x128xf32, #tpu.memory_space<vmem>>, %arg4: memref<1x128xf32, #tpu.memory_space<vmem>>, %arg5: memref<128x128xf32, #tpu.memory_space<vmem>>, %arg6: memref<1x128xf32, #tpu.memory_space<vmem>>, %arg7: memref<32x128xf32, #tpu.memory_space<vmem>>, %arg8: memref<4096x128xf32, #tpu.memory_space<vmem>>, %arg9: memref<4096x128xf32, #tpu.memory_space<vmem>>) attributes {dimension_semantics = [#tpu.dimension_semantics<arbitrary>], iteration_bounds = array<i64: 2>, scalar_prefetch = 0 : i64, scratch_operands = 0 : i64, tpu.core_type = #tpu.core_type<tc>, window_params = [{transform_indices = @transform_0, window_bounds = array<i64: 4096, 128>}, {transform_indices = @transform_1, window_bounds = array<i64: 4096, 128>}, {pipeline_mode = #tpu.pipeline_mode<synchronous>, transform_indices = @transform_2, window_bounds = array<i64: 128, 128>}, {pipeline_mode = #tpu.pipeline_mode<synchronous>, transform_indices = @transform_3, window_bounds = array<i64: 1, 128>}, {pipeline_mode = #tpu.pipeline_mode<synchronous>, transform_indices = @transform_4, window_bounds = array<i64: 128, 128>}, {pipeline_mode = #tpu.pipeline_mode<synchronous>, transform_indices = @transform_5, window_bounds = array<i64: 1, 128>}, {transform_indices = @transform_6, window_bounds = array<i64: 32, 128>}, {transform_indices = @transform_7, window_bounds = array<i64: 4096, 128>}, {transform_indices = @transform_8, window_bounds = array<i64: 4096, 128>}]} {
    %get3A = arith.constant 0 : index
    %get3A_0 = arith.constant 0 : index
    %get3A_1 = vector.load %arg3[%get3A, %get3A_0] : memref<128x128xf32, #tpu.memory_space<vmem>>, vector<128x128xf32>
    %get3A_2 = arith.constant 0 : index
    %get3A_3 = arith.constant 0 : index
    %get3A_4 = vector.load %arg4[%get3A_2, %get3A_3] : memref<1x128xf32, #tpu.memory_space<vmem>>, vector<1x128xf32>
    %get3A_5 = arith.constant 0 : index
    %get3A_6 = arith.constant 0 : index
    %get3A_7 = vector.load %arg1[%get3A_5, %get3A_6] : memref<4096x128xf32, #tpu.memory_space<vmem>>, vector<4096x128xf32>
    %dot_general3A = arith.constant dense<0.000000e+00> : vector<4096x128xf32>
    %dot_general3A_8 = tpu.matmul %get3A_7, %get3A_1, %dot_general3A {dimension_numbers = #tpu.dot_dimension_numbers<[1], [0], [0], [1], [0, 0, 1, 1], [], []>, transpose_lhs_hint = false} : vector<4096x128xf32>, vector<128x128xf32>, vector<4096x128xf32> -> vector<4096x128xf32>
    %add3A = vector.broadcast %get3A_4 : vector<1x128xf32> to vector<4096x128xf32>
    %add3A_9 = arith.addf %dot_general3A_8, %add3A : vector<4096x128xf32>
    %max3A = arith.constant 0.000000e+00 : f32
    %max3A_10 = vector.broadcast %max3A : f32 to vector<4096x128xf32>
    %max3A_11 = arith.maximumf %add3A_9, %max3A_10 : vector<4096x128xf32>
    %dot_general3A_12 = arith.constant dense<0.000000e+00> : vector<4096x128xf32>
    %dot_general3A_13 = tpu.matmul %max3A_11, %get3A_1, %dot_general3A_12 {dimension_numbers = #tpu.dot_dimension_numbers<[1], [0], [0], [1], [0, 0, 1, 1], [], []>, transpose_lhs_hint = false} : vector<4096x128xf32>, vector<128x128xf32>, vector<4096x128xf32> -> vector<4096x128xf32>
    %add3A_14 = vector.broadcast %get3A_4 : vector<1x128xf32> to vector<4096x128xf32>
    %add3A_15 = arith.addf %dot_general3A_13, %add3A_14 : vector<4096x128xf32>
    %max3A_16 = arith.constant 0.000000e+00 : f32
    %max3A_17 = vector.broadcast %max3A_16 : f32 to vector<4096x128xf32>
    %max3A_18 = arith.maximumf %add3A_15, %max3A_17 : vector<4096x128xf32>
    %dot_general3A_19 = arith.constant dense<0.000000e+00> : vector<4096x128xf32>
    %dot_general3A_20 = tpu.matmul %max3A_18, %get3A_1, %dot_general3A_19 {dimension_numbers = #tpu.dot_dimension_numbers<[1], [0], [0], [1], [0, 0, 1, 1], [], []>, transpose_lhs_hint = false} : vector<4096x128xf32>, vector<128x128xf32>, vector<4096x128xf32> -> vector<4096x128xf32>
    %add3A_21 = vector.broadcast %get3A_4 : vector<1x128xf32> to vector<4096x128xf32>
    %add3A_22 = arith.addf %dot_general3A_20, %add3A_21 : vector<4096x128xf32>
    %max3A_23 = arith.constant 0.000000e+00 : f32
    %max3A_24 = vector.broadcast %max3A_23 : f32 to vector<4096x128xf32>
    %max3A_25 = arith.maximumf %add3A_22, %max3A_24 : vector<4096x128xf32>
    %dot_general3A_26 = arith.constant dense<0.000000e+00> : vector<4096x128xf32>
    %dot_general3A_27 = tpu.matmul %max3A_25, %get3A_1, %dot_general3A_26 {dimension_numbers = #tpu.dot_dimension_numbers<[1], [0], [0], [1], [0, 0, 1, 1], [], []>, transpose_lhs_hint = false} : vector<4096x128xf32>, vector<128x128xf32>, vector<4096x128xf32> -> vector<4096x128xf32>
    %add3A_28 = vector.broadcast %get3A_4 : vector<1x128xf32> to vector<4096x128xf32>
    %add3A_29 = arith.addf %dot_general3A_27, %add3A_28 : vector<4096x128xf32>
    %max3A_30 = arith.constant 0.000000e+00 : f32
    %max3A_31 = vector.broadcast %max3A_30 : f32 to vector<4096x128xf32>
    %max3A_32 = arith.maximumf %add3A_29, %max3A_31 : vector<4096x128xf32>
    %get3A_33 = arith.constant 0 : index
    %get3A_34 = arith.constant 0 : index
    %get3A_35 = vector.load %arg5[%get3A_33, %get3A_34] : memref<128x128xf32, #tpu.memory_space<vmem>>, vector<128x128xf32>
    %get3A_36 = arith.constant 0 : index
    %get3A_37 = arith.constant 0 : index
    %get3A_38 = vector.load %arg6[%get3A_36, %get3A_37] : memref<1x128xf32, #tpu.memory_space<vmem>>, vector<1x128xf32>
    %get3A_39 = arith.constant 0 : index
    %get3A_40 = arith.constant 0 : index
    %get3A_41 = vector.load %arg2[%get3A_39, %get3A_40] : memref<4096x128xf32, #tpu.memory_space<vmem>>, vector<4096x128xf32>
    %dot_general3A_42 = arith.constant dense<0.000000e+00> : vector<4096x128xf32>
    %dot_general3A_43 = tpu.matmul %get3A_41, %get3A_35, %dot_general3A_42 {dimension_numbers = #tpu.dot_dimension_numbers<[1], [0], [0], [1], [0, 0, 1, 1], [], []>, transpose_lhs_hint = false} : vector<4096x128xf32>, vector<128x128xf32>, vector<4096x128xf32> -> vector<4096x128xf32>
    %add3A_44 = vector.broadcast %get3A_38 : vector<1x128xf32> to vector<4096x128xf32>
    %add3A_45 = arith.addf %dot_general3A_43, %add3A_44 : vector<4096x128xf32>
    %max3A_46 = arith.constant 0.000000e+00 : f32
    %max3A_47 = vector.broadcast %max3A_46 : f32 to vector<4096x128xf32>
    %max3A_48 = arith.maximumf %add3A_45, %max3A_47 : vector<4096x128xf32>
    %dot_general3A_49 = arith.constant dense<0.000000e+00> : vector<4096x128xf32>
    %dot_general3A_50 = tpu.matmul %max3A_48, %get3A_35, %dot_general3A_49 {dimension_numbers = #tpu.dot_dimension_numbers<[1], [0], [0], [1], [0, 0, 1, 1], [], []>, transpose_lhs_hint = false} : vector<4096x128xf32>, vector<128x128xf32>, vector<4096x128xf32> -> vector<4096x128xf32>
    %add3A_51 = vector.broadcast %get3A_38 : vector<1x128xf32> to vector<4096x128xf32>
    %add3A_52 = arith.addf %dot_general3A_50, %add3A_51 : vector<4096x128xf32>
    %max3A_53 = arith.constant 0.000000e+00 : f32
    %max3A_54 = vector.broadcast %max3A_53 : f32 to vector<4096x128xf32>
    %max3A_55 = arith.maximumf %add3A_52, %max3A_54 : vector<4096x128xf32>
    %dot_general3A_56 = arith.constant dense<0.000000e+00> : vector<4096x128xf32>
    %dot_general3A_57 = tpu.matmul %max3A_55, %get3A_35, %dot_general3A_56 {dimension_numbers = #tpu.dot_dimension_numbers<[1], [0], [0], [1], [0, 0, 1, 1], [], []>, transpose_lhs_hint = false} : vector<4096x128xf32>, vector<128x128xf32>, vector<4096x128xf32> -> vector<4096x128xf32>
    %add3A_58 = vector.broadcast %get3A_38 : vector<1x128xf32> to vector<4096x128xf32>
    %add3A_59 = arith.addf %dot_general3A_57, %add3A_58 : vector<4096x128xf32>
    %max3A_60 = arith.constant 0.000000e+00 : f32
    %max3A_61 = vector.broadcast %max3A_60 : f32 to vector<4096x128xf32>
    %max3A_62 = arith.maximumf %add3A_59, %max3A_61 : vector<4096x128xf32>
    %dot_general3A_63 = arith.constant dense<0.000000e+00> : vector<4096x128xf32>
    %dot_general3A_64 = tpu.matmul %max3A_62, %get3A_35, %dot_general3A_63 {dimension_numbers = #tpu.dot_dimension_numbers<[1], [0], [0], [1], [0, 0, 1, 1], [], []>, transpose_lhs_hint = false} : vector<4096x128xf32>, vector<128x128xf32>, vector<4096x128xf32> -> vector<4096x128xf32>
    %add3A_65 = vector.broadcast %get3A_38 : vector<1x128xf32> to vector<4096x128xf32>
    %add3A_66 = arith.addf %dot_general3A_64, %add3A_65 : vector<4096x128xf32>
    %max3A_67 = arith.constant 0.000000e+00 : f32
    %max3A_68 = vector.broadcast %max3A_67 : f32 to vector<4096x128xf32>
    %max3A_69 = arith.maximumf %add3A_66, %max3A_68 : vector<4096x128xf32>
    %swap3A = arith.constant 0 : index
    %swap3A_70 = arith.constant 0 : index
    %swap3A_71 = vector.load %arg8[%swap3A, %swap3A_70] : memref<4096x128xf32, #tpu.memory_space<vmem>>, vector<4096x128xf32>
    tpu.vector_store %arg8[%swap3A, %swap3A_70], %max3A_32 {strides = array<i32>} : memref<4096x128xf32, #tpu.memory_space<vmem>>, vector<4096x128xf32>,
    %swap3A_72 = arith.constant 0 : index
    %swap3A_73 = arith.constant 0 : index
    %swap3A_74 = vector.load %arg9[%swap3A_72, %swap3A_73] : memref<4096x128xf32, #tpu.memory_space<vmem>>, vector<4096x128xf32>
    tpu.vector_store %arg9[%swap3A_72, %swap3A_73], %max3A_69 {strides = array<i32>} : memref<4096x128xf32, #tpu.memory_space<vmem>>, vector<4096x128xf32>,
    %mul3A = arith.mulf %max3A_32, %max3A_69 : vector<4096x128xf32>
    %broadcast_in_dim3A = arith.constant 1.000000e+00 : f32
    %broadcast_in_dim3A_75 = vector.broadcast %broadcast_in_dim3A : f32 to vector<1x128xf32>
    %slice3A = vector.extract_strided_slice %mul3A {offsets = [0, 0], sizes = [128, 128], strides = [1, 1]} : vector<4096x128xf32> to vector<128x128xf32>
    %dot_general3A_76 = arith.constant dense<0.000000e+00> : vector<1x128xf32>
    %dot_general3A_77 = tpu.matmul %broadcast_in_dim3A_75, %slice3A, %dot_general3A_76 {dimension_numbers = #tpu.dot_dimension_numbers<[1], [1], [0], [0], [0, 0, 1, 0], [], []>, transpose_lhs_hint = false} : vector<1x128xf32>, vector<128x128xf32>, vector<1x128xf32> -> vector<1x128xf32>
    %slice3A_78 = vector.extract_strided_slice %mul3A {offsets = [128, 0], sizes = [128, 128], strides = [1, 1]} : vector<4096x128xf32> to vector<128x128xf32>
    %dot_general3A_79 = arith.constant dense<0.000000e+00> : vector<1x128xf32>
    %dot_general3A_80 = tpu.matmul %broadcast_in_dim3A_75, %slice3A_78, %dot_general3A_79 {dimension_numbers = #tpu.dot_dimension_numbers<[1], [1], [0], [0], [0, 0, 1, 0], [], []>, transpose_lhs_hint = false} : vector<1x128xf32>, vector<128x128xf32>, vector<1x128xf32> -> vector<1x128xf32>
    %slice3A_81 = vector.extract_strided_slice %mul3A {offsets = [256, 0], sizes = [128, 128], strides = [1, 1]} : vector<4096x128xf32> to vector<128x128xf32>
    %dot_general3A_82 = arith.constant dense<0.000000e+00> : vector<1x128xf32>
    %dot_general3A_83 = tpu.matmul %broadcast_in_dim3A_75, %slice3A_81, %dot_general3A_82 {dimension_numbers = #tpu.dot_dimension_numbers<[1], [1], [0], [0], [0, 0, 1, 0], [], []>, transpose_lhs_hint = false} : vector<1x128xf32>, vector<128x128xf32>, vector<1x128xf32> -> vector<1x128xf32>
    %slice3A_84 = vector.extract_strided_slice %mul3A {offsets = [384, 0], sizes = [128, 128], strides = [1, 1]} : vector<4096x128xf32> to vector<128x128xf32>
    %dot_general3A_85 = arith.constant dense<0.000000e+00> : vector<1x128xf32>
    %dot_general3A_86 = tpu.matmul %broadcast_in_dim3A_75, %slice3A_84, %dot_general3A_85 {dimension_numbers = #tpu.dot_dimension_numbers<[1], [1], [0], [0], [0, 0, 1, 0], [], []>, transpose_lhs_hint = false} : vector<1x128xf32>, vector<128x128xf32>, vector<1x128xf32> -> vector<1x128xf32>
    %slice3A_87 = vector.extract_strided_slice %mul3A {offsets = [512, 0], sizes = [128, 128], strides = [1, 1]} : vector<4096x128xf32> to vector<128x128xf32>
    %dot_general3A_88 = arith.constant dense<0.000000e+00> : vector<1x128xf32>
    %dot_general3A_89 = tpu.matmul %broadcast_in_dim3A_75, %slice3A_87, %dot_general3A_88 {dimension_numbers = #tpu.dot_dimension_numbers<[1], [1], [0], [0], [0, 0, 1, 0], [], []>, transpose_lhs_hint = false} : vector<1x128xf32>, vector<128x128xf32>, vector<1x128xf32> -> vector<1x128xf32>
    %slice3A_90 = vector.extract_strided_slice %mul3A {offsets = [640, 0], sizes = [128, 128], strides = [1, 1]} : vector<4096x128xf32> to vector<128x128xf32>
    %dot_general3A_91 = arith.constant dense<0.000000e+00> : vector<1x128xf32>
    %dot_general3A_92 = tpu.matmul %broadcast_in_dim3A_75, %slice3A_90, %dot_general3A_91 {dimension_numbers = #tpu.dot_dimension_numbers<[1], [1], [0], [0], [0, 0, 1, 0], [], []>, transpose_lhs_hint = false} : vector<1x128xf32>, vector<128x128xf32>, vector<1x128xf32> -> vector<1x128xf32>
    %slice3A_93 = vector.extract_strided_slice %mul3A {offsets = [768, 0], sizes = [128, 128], strides = [1, 1]} : vector<4096x128xf32> to vector<128x128xf32>
    %dot_general3A_94 = arith.constant dense<0.000000e+00> : vector<1x128xf32>
    %dot_general3A_95 = tpu.matmul %broadcast_in_dim3A_75, %slice3A_93, %dot_general3A_94 {dimension_numbers = #tpu.dot_dimension_numbers<[1], [1], [0], [0], [0, 0, 1, 0], [], []>, transpose_lhs_hint = false} : vector<1x128xf32>, vector<128x128xf32>, vector<1x128xf32> -> vector<1x128xf32>
    %slice3A_96 = vector.extract_strided_slice %mul3A {offsets = [896, 0], sizes = [128, 128], strides = [1, 1]} : vector<4096x128xf32> to vector<128x128xf32>
    %dot_general3A_97 = arith.constant dense<0.000000e+00> : vector<1x128xf32>
    %dot_general3A_98 = tpu.matmul %broadcast_in_dim3A_75, %slice3A_96, %dot_general3A_97 {dimension_numbers = #tpu.dot_dimension_numbers<[1], [1], [0], [0], [0, 0, 1, 0], [], []>, transpose_lhs_hint = false} : vector<1x128xf32>, vector<128x128xf32>, vector<1x128xf32> -> vector<1x128xf32>
    %slice3A_99 = vector.extract_strided_slice %mul3A {offsets = [1024, 0], sizes = [128, 128], strides = [1, 1]} : vector<4096x128xf32> to vector<128x128xf32>
    %dot_general3A_100 = arith.constant dense<0.000000e+00> : vector<1x128xf32>
    %dot_general3A_101 = tpu.matmul %broadcast_in_dim3A_75, %slice3A_99, %dot_general3A_100 {dimension_numbers = #tpu.dot_dimension_numbers<[1], [1], [0], [0], [0, 0, 1, 0], [], []>, transpose_lhs_hint = false} : vector<1x128xf32>, vector<128x128xf32>, vector<1x128xf32> -> vector<1x128xf32>
    %slice3A_102 = vector.extract_strided_slice %mul3A {offsets = [1152, 0], sizes = [128, 128], strides = [1, 1]} : vector<4096x128xf32> to vector<128x128xf32>
    %dot_general3A_103 = arith.constant dense<0.000000e+00> : vector<1x128xf32>
    %dot_general3A_104 = tpu.matmul %broadcast_in_dim3A_75, %slice3A_102, %dot_general3A_103 {dimension_numbers = #tpu.dot_dimension_numbers<[1], [1], [0], [0], [0, 0, 1, 0], [], []>, transpose_lhs_hint = false} : vector<1x128xf32>, vector<128x128xf32>, vector<1x128xf32> -> vector<1x128xf32>
    %slice3A_105 = vector.extract_strided_slice %mul3A {offsets = [1280, 0], sizes = [128, 128], strides = [1, 1]} : vector<4096x128xf32> to vector<128x128xf32>
    %dot_general3A_106 = arith.constant dense<0.000000e+00> : vector<1x128xf32>
    %dot_general3A_107 = tpu.matmul %broadcast_in_dim3A_75, %slice3A_105, %dot_general3A_106 {dimension_numbers = #tpu.dot_dimension_numbers<[1], [1], [0], [0], [0, 0, 1, 0], [], []>, transpose_lhs_hint = false} : vector<1x128xf32>, vector<128x128xf32>, vector<1x128xf32> -> vector<1x128xf32>
    %slice3A_108 = vector.extract_strided_slice %mul3A {offsets = [1408, 0], sizes = [128, 128], strides = [1, 1]} : vector<4096x128xf32> to vector<128x128xf32>
    %dot_general3A_109 = arith.constant dense<0.000000e+00> : vector<1x128xf32>
    %dot_general3A_110 = tpu.matmul %broadcast_in_dim3A_75, %slice3A_108, %dot_general3A_109 {dimension_numbers = #tpu.dot_dimension_numbers<[1], [1], [0], [0], [0, 0, 1, 0], [], []>, transpose_lhs_hint = false} : vector<1x128xf32>, vector<128x128xf32>, vector<1x128xf32> -> vector<1x128xf32>
    %slice3A_111 = vector.extract_strided_slice %mul3A {offsets = [1536, 0], sizes = [128, 128], strides = [1, 1]} : vector<4096x128xf32> to vector<128x128xf32>
    %dot_general3A_112 = arith.constant dense<0.000000e+00> : vector<1x128xf32>
    %dot_general3A_113 = tpu.matmul %broadcast_in_dim3A_75, %slice3A_111, %dot_general3A_112 {dimension_numbers = #tpu.dot_dimension_numbers<[1], [1], [0], [0], [0, 0, 1, 0], [], []>, transpose_lhs_hint = false} : vector<1x128xf32>, vector<128x128xf32>, vector<1x128xf32> -> vector<1x128xf32>
    %slice3A_114 = vector.extract_strided_slice %mul3A {offsets = [1664, 0], sizes = [128, 128], strides = [1, 1]} : vector<4096x128xf32> to vector<128x128xf32>
    %dot_general3A_115 = arith.constant dense<0.000000e+00> : vector<1x128xf32>
    %dot_general3A_116 = tpu.matmul %broadcast_in_dim3A_75, %slice3A_114, %dot_general3A_115 {dimension_numbers = #tpu.dot_dimension_numbers<[1], [1], [0], [0], [0, 0, 1, 0], [], []>, transpose_lhs_hint = false} : vector<1x128xf32>, vector<128x128xf32>, vector<1x128xf32> -> vector<1x128xf32>
    %slice3A_117 = vector.extract_strided_slice %mul3A {offsets = [1792, 0], sizes = [128, 128], strides = [1, 1]} : vector<4096x128xf32> to vector<128x128xf32>
    %dot_general3A_118 = arith.constant dense<0.000000e+00> : vector<1x128xf32>
    %dot_general3A_119 = tpu.matmul %broadcast_in_dim3A_75, %slice3A_117, %dot_general3A_118 {dimension_numbers = #tpu.dot_dimension_numbers<[1], [1], [0], [0], [0, 0, 1, 0], [], []>, transpose_lhs_hint = false} : vector<1x128xf32>, vector<128x128xf32>, vector<1x128xf32> -> vector<1x128xf32>
    %slice3A_120 = vector.extract_strided_slice %mul3A {offsets = [1920, 0], sizes = [128, 128], strides = [1, 1]} : vector<4096x128xf32> to vector<128x128xf32>
    %dot_general3A_121 = arith.constant dense<0.000000e+00> : vector<1x128xf32>
    %dot_general3A_122 = tpu.matmul %broadcast_in_dim3A_75, %slice3A_120, %dot_general3A_121 {dimension_numbers = #tpu.dot_dimension_numbers<[1], [1], [0], [0], [0, 0, 1, 0], [], []>, transpose_lhs_hint = false} : vector<1x128xf32>, vector<128x128xf32>, vector<1x128xf32> -> vector<1x128xf32>
    %slice3A_123 = vector.extract_strided_slice %mul3A {offsets = [2048, 0], sizes = [128, 128], strides = [1, 1]} : vector<4096x128xf32> to vector<128x128xf32>
    %dot_general3A_124 = arith.constant dense<0.000000e+00> : vector<1x128xf32>
    %dot_general3A_125 = tpu.matmul %broadcast_in_dim3A_75, %slice3A_123, %dot_general3A_124 {dimension_numbers = #tpu.dot_dimension_numbers<[1], [1], [0], [0], [0, 0, 1, 0], [], []>, transpose_lhs_hint = false} : vector<1x128xf32>, vector<128x128xf32>, vector<1x128xf32> -> vector<1x128xf32>
    %slice3A_126 = vector.extract_strided_slice %mul3A {offsets = [2176, 0], sizes = [128, 128], strides = [1, 1]} : vector<4096x128xf32> to vector<128x128xf32>
    %dot_general3A_127 = arith.constant dense<0.000000e+00> : vector<1x128xf32>
    %dot_general3A_128 = tpu.matmul %broadcast_in_dim3A_75, %slice3A_126, %dot_general3A_127 {dimension_numbers = #tpu.dot_dimension_numbers<[1], [1], [0], [0], [0, 0, 1, 0], [], []>, transpose_lhs_hint = false} : vector<1x128xf32>, vector<128x128xf32>, vector<1x128xf32> -> vector<1x128xf32>
    %slice3A_129 = vector.extract_strided_slice %mul3A {offsets = [2304, 0], sizes = [128, 128], strides = [1, 1]} : vector<4096x128xf32> to vector<128x128xf32>
    %dot_general3A_130 = arith.constant dense<0.000000e+00> : vector<1x128xf32>
    %dot_general3A_131 = tpu.matmul %broadcast_in_dim3A_75, %slice3A_129, %dot_general3A_130 {dimension_numbers = #tpu.dot_dimension_numbers<[1], [1], [0], [0], [0, 0, 1, 0], [], []>, transpose_lhs_hint = false} : vector<1x128xf32>, vector<128x128xf32>, vector<1x128xf32> -> vector<1x128xf32>
    %slice3A_132 = vector.extract_strided_slice %mul3A {offsets = [2432, 0], sizes = [128, 128], strides = [1, 1]} : vector<4096x128xf32> to vector<128x128xf32>
    %dot_general3A_133 = arith.constant dense<0.000000e+00> : vector<1x128xf32>
    %dot_general3A_134 = tpu.matmul %broadcast_in_dim3A_75, %slice3A_132, %dot_general3A_133 {dimension_numbers = #tpu.dot_dimension_numbers<[1], [1], [0], [0], [0, 0, 1, 0], [], []>, transpose_lhs_hint = false} : vector<1x128xf32>, vector<128x128xf32>, vector<1x128xf32> -> vector<1x128xf32>
    %slice3A_135 = vector.extract_strided_slice %mul3A {offsets = [2560, 0], sizes = [128, 128], strides = [1, 1]} : vector<4096x128xf32> to vector<128x128xf32>
    %dot_general3A_136 = arith.constant dense<0.000000e+00> : vector<1x128xf32>
    %dot_general3A_137 = tpu.matmul %broadcast_in_dim3A_75, %slice3A_135, %dot_general3A_136 {dimension_numbers = #tpu.dot_dimension_numbers<[1], [1], [0], [0], [0, 0, 1, 0], [], []>, transpose_lhs_hint = false} : vector<1x128xf32>, vector<128x128xf32>, vector<1x128xf32> -> vector<1x128xf32>
    %slice3A_138 = vector.extract_strided_slice %mul3A {offsets = [2688, 0], sizes = [128, 128], strides = [1, 1]} : vector<4096x128xf32> to vector<128x128xf32>
    %dot_general3A_139 = arith.constant dense<0.000000e+00> : vector<1x128xf32>
    %dot_general3A_140 = tpu.matmul %broadcast_in_dim3A_75, %slice3A_138, %dot_general3A_139 {dimension_numbers = #tpu.dot_dimension_numbers<[1], [1], [0], [0], [0, 0, 1, 0], [], []>, transpose_lhs_hint = false} : vector<1x128xf32>, vector<128x128xf32>, vector<1x128xf32> -> vector<1x128xf32>
    %slice3A_141 = vector.extract_strided_slice %mul3A {offsets = [2816, 0], sizes = [128, 128], strides = [1, 1]} : vector<4096x128xf32> to vector<128x128xf32>
    %dot_general3A_142 = arith.constant dense<0.000000e+00> : vector<1x128xf32>
    %dot_general3A_143 = tpu.matmul %broadcast_in_dim3A_75, %slice3A_141, %dot_general3A_142 {dimension_numbers = #tpu.dot_dimension_numbers<[1], [1], [0], [0], [0, 0, 1, 0], [], []>, transpose_lhs_hint = false} : vector<1x128xf32>, vector<128x128xf32>, vector<1x128xf32> -> vector<1x128xf32>
    %slice3A_144 = vector.extract_strided_slice %mul3A {offsets = [2944, 0], sizes = [128, 128], strides = [1, 1]} : vector<4096x128xf32> to vector<128x128xf32>
    %dot_general3A_145 = arith.constant dense<0.000000e+00> : vector<1x128xf32>
    %dot_general3A_146 = tpu.matmul %broadcast_in_dim3A_75, %slice3A_144, %dot_general3A_145 {dimension_numbers = #tpu.dot_dimension_numbers<[1], [1], [0], [0], [0, 0, 1, 0], [], []>, transpose_lhs_hint = false} : vector<1x128xf32>, vector<128x128xf32>, vector<1x128xf32> -> vector<1x128xf32>
    %slice3A_147 = vector.extract_strided_slice %mul3A {offsets = [3072, 0], sizes = [128, 128], strides = [1, 1]} : vector<4096x128xf32> to vector<128x128xf32>
    %dot_general3A_148 = arith.constant dense<0.000000e+00> : vector<1x128xf32>
    %dot_general3A_149 = tpu.matmul %broadcast_in_dim3A_75, %slice3A_147, %dot_general3A_148 {dimension_numbers = #tpu.dot_dimension_numbers<[1], [1], [0], [0], [0, 0, 1, 0], [], []>, transpose_lhs_hint = false} : vector<1x128xf32>, vector<128x128xf32>, vector<1x128xf32> -> vector<1x128xf32>
    %slice3A_150 = vector.extract_strided_slice %mul3A {offsets = [3200, 0], sizes = [128, 128], strides = [1, 1]} : vector<4096x128xf32> to vector<128x128xf32>
    %dot_general3A_151 = arith.constant dense<0.000000e+00> : vector<1x128xf32>
    %dot_general3A_152 = tpu.matmul %broadcast_in_dim3A_75, %slice3A_150, %dot_general3A_151 {dimension_numbers = #tpu.dot_dimension_numbers<[1], [1], [0], [0], [0, 0, 1, 0], [], []>, transpose_lhs_hint = false} : vector<1x128xf32>, vector<128x128xf32>, vector<1x128xf32> -> vector<1x128xf32>
    %slice3A_153 = vector.extract_strided_slice %mul3A {offsets = [3328, 0], sizes = [128, 128], strides = [1, 1]} : vector<4096x128xf32> to vector<128x128xf32>
    %dot_general3A_154 = arith.constant dense<0.000000e+00> : vector<1x128xf32>
    %dot_general3A_155 = tpu.matmul %broadcast_in_dim3A_75, %slice3A_153, %dot_general3A_154 {dimension_numbers = #tpu.dot_dimension_numbers<[1], [1], [0], [0], [0, 0, 1, 0], [], []>, transpose_lhs_hint = false} : vector<1x128xf32>, vector<128x128xf32>, vector<1x128xf32> -> vector<1x128xf32>
    %slice3A_156 = vector.extract_strided_slice %mul3A {offsets = [3456, 0], sizes = [128, 128], strides = [1, 1]} : vector<4096x128xf32> to vector<128x128xf32>
    %dot_general3A_157 = arith.constant dense<0.000000e+00> : vector<1x128xf32>
    %dot_general3A_158 = tpu.matmul %broadcast_in_dim3A_75, %slice3A_156, %dot_general3A_157 {dimension_numbers = #tpu.dot_dimension_numbers<[1], [1], [0], [0], [0, 0, 1, 0], [], []>, transpose_lhs_hint = false} : vector<1x128xf32>, vector<128x128xf32>, vector<1x128xf32> -> vector<1x128xf32>
    %slice3A_159 = vector.extract_strided_slice %mul3A {offsets = [3584, 0], sizes = [128, 128], strides = [1, 1]} : vector<4096x128xf32> to vector<128x128xf32>
    %dot_general3A_160 = arith.constant dense<0.000000e+00> : vector<1x128xf32>
    %dot_general3A_161 = tpu.matmul %broadcast_in_dim3A_75, %slice3A_159, %dot_general3A_160 {dimension_numbers = #tpu.dot_dimension_numbers<[1], [1], [0], [0], [0, 0, 1, 0], [], []>, transpose_lhs_hint = false} : vector<1x128xf32>, vector<128x128xf32>, vector<1x128xf32> -> vector<1x128xf32>
    %slice3A_162 = vector.extract_strided_slice %mul3A {offsets = [3712, 0], sizes = [128, 128], strides = [1, 1]} : vector<4096x128xf32> to vector<128x128xf32>
    %dot_general3A_163 = arith.constant dense<0.000000e+00> : vector<1x128xf32>
    %dot_general3A_164 = tpu.matmul %broadcast_in_dim3A_75, %slice3A_162, %dot_general3A_163 {dimension_numbers = #tpu.dot_dimension_numbers<[1], [1], [0], [0], [0, 0, 1, 0], [], []>, transpose_lhs_hint = false} : vector<1x128xf32>, vector<128x128xf32>, vector<1x128xf32> -> vector<1x128xf32>
    %slice3A_165 = vector.extract_strided_slice %mul3A {offsets = [3840, 0], sizes = [128, 128], strides = [1, 1]} : vector<4096x128xf32> to vector<128x128xf32>
    %dot_general3A_166 = arith.constant dense<0.000000e+00> : vector<1x128xf32>
    %dot_general3A_167 = tpu.matmul %broadcast_in_dim3A_75, %slice3A_165, %dot_general3A_166 {dimension_numbers = #tpu.dot_dimension_numbers<[1], [1], [0], [0], [0, 0, 1, 0], [], []>, transpose_lhs_hint = false} : vector<1x128xf32>, vector<128x128xf32>, vector<1x128xf32> -> vector<1x128xf32>
    %slice3A_168 = vector.extract_strided_slice %mul3A {offsets = [3968, 0], sizes = [128, 128], strides = [1, 1]} : vector<4096x128xf32> to vector<128x128xf32>
    %dot_general3A_169 = arith.constant dense<0.000000e+00> : vector<1x128xf32>
    %dot_general3A_170 = tpu.matmul %broadcast_in_dim3A_75, %slice3A_168, %dot_general3A_169 {dimension_numbers = #tpu.dot_dimension_numbers<[1], [1], [0], [0], [0, 0, 1, 0], [], []>, transpose_lhs_hint = false} : vector<1x128xf32>, vector<128x128xf32>, vector<1x128xf32> -> vector<1x128xf32>
    %concatenate3A = tpu.concatenate %dot_general3A_77, %dot_general3A_80, %dot_general3A_83, %dot_general3A_86, %dot_general3A_89, %dot_general3A_92, %dot_general3A_95, %dot_general3A_98, %dot_general3A_101, %dot_general3A_104, %dot_general3A_107, %dot_general3A_110, %dot_general3A_113, %dot_general3A_116, %dot_general3A_119, %dot_general3A_122, %dot_general3A_125, %dot_general3A_128, %dot_general3A_131, %dot_general3A_134, %dot_general3A_137, %dot_general3A_140, %dot_general3A_143, %dot_general3A_146, %dot_general3A_149, %dot_general3A_152, %dot_general3A_155, %dot_general3A_158, %dot_general3A_161, %dot_general3A_164, %dot_general3A_167, %dot_general3A_170 in 0 : vector<1x128xf32>, vector<1x128xf32>, vector<1x128xf32>, vector<1x128xf32>, vector<1x128xf32>, vector<1x128xf32>, vector<1x128xf32>, vector<1x128xf32>, vector<1x128xf32>, vector<1x128xf32>, vector<1x128xf32>, vector<1x128xf32>, vector<1x128xf32>, vector<1x128xf32>, vector<1x128xf32>, vector<1x128xf32>, vector<1x128xf32>, vector<1x128xf32>, vector<1x128xf32>, vector<1x128xf32>, vector<1x128xf32>, vector<1x128xf32>, vector<1x128xf32>, vector<1x128xf32>, vector<1x128xf32>, vector<1x128xf32>, vector<1x128xf32>, vector<1x128xf32>, vector<1x128xf32>, vector<1x128xf32>, vector<1x128xf32>, vector<1x128xf32> -> vector<32x128xf32>
    %max3A_171 = arith.constant 0.000000e+00 : f32
    %max3A_172 = vector.broadcast %max3A_171 : f32 to vector<32x128xf32>
    %max3A_173 = arith.maximumf %concatenate3A, %max3A_172 : vector<32x128xf32>
    %swap3A_174 = arith.constant 0 : index
    %swap3A_175 = arith.constant 0 : index
    %swap3A_176 = vector.load %arg7[%swap3A_174, %swap3A_175] : memref<32x128xf32, #tpu.memory_space<vmem>>, vector<32x128xf32>
    tpu.vector_store %arg7[%swap3A_174, %swap3A_175], %max3A_173 {strides = array<i32>} : memref<32x128xf32, #tpu.memory_space<vmem>>, vector<32x128xf32>,
    return
  }
  func.func @transform_0(%arg0: i32) -> (i32, i32) {
    %c0_i32 = arith.constant 0 : i32
    %c0_i32_0 = arith.constant 0 : i32
    return %arg0, %c0_i32 : i32, i32
  }
  func.func @transform_1(%arg0: i32) -> (i32, i32) {
    %c0_i32 = arith.constant 0 : i32
    %c0_i32_0 = arith.constant 0 : i32
    return %arg0, %c0_i32 : i32, i32
  }
  func.func @transform_2(%arg0: i32) -> (i32, i32) {
    %c0_i32 = arith.constant 0 : i32
    %c0_i32_0 = arith.constant 0 : i32
    %c0_i32_1 = arith.constant 0 : i32
    return %c0_i32, %c0_i32_0 : i32, i32
  }
  func.func @transform_3(%arg0: i32) -> (i32, i32) {
    %c0_i32 = arith.constant 0 : i32
    %c0_i32_0 = arith.constant 0 : i32
    %c0_i32_1 = arith.constant 0 : i32
    return %c0_i32, %c0_i32_0 : i32, i32
  }
  func.func @transform_4(%arg0: i32) -> (i32, i32) {
    %c0_i32 = arith.constant 0 : i32
    %c0_i32_0 = arith.constant 0 : i32
    %c0_i32_1 = arith.constant 0 : i32
    return %c0_i32, %c0_i32_0 : i32, i32
  }
  func.func @transform_5(%arg0: i32) -> (i32, i32) {
    %c0_i32 = arith.constant 0 : i32
    %c0_i32_0 = arith.constant 0 : i32
    %c0_i32_1 = arith.constant 0 : i32
    return %c0_i32, %c0_i32_0 : i32, i32
  }
  func.func @transform_6(%arg0: i32) -> (i32, i32) {
    %add3A = arith.constant 0 : i32
    %add3A_0 = arith.addi %arg0, %add3A : i32
    %c0_i32 = arith.constant 0 : i32
    %c0_i32_1 = arith.constant 0 : i32
    return %add3A_0, %c0_i32 : i32, i32
  }
  func.func @transform_7(%arg0: i32) -> (i32, i32) {
    %add3A = arith.constant 0 : i32
    %add3A_0 = arith.addi %arg0, %add3A : i32
    %c0_i32 = arith.constant 0 : i32
    %c0_i32_1 = arith.constant 0 : i32
    return %add3A_0, %c0_i32 : i32, i32
  }
  func.func @transform_8(%arg0: i32) -> (i32, i32) {
    %add3A = arith.constant 0 : i32
    %add3A_0 = arith.addi %arg0, %add3A : i32
    %c0_i32 = arith.constant 0 : i32
    %c0_i32_1 = arith.constant 0 : i32
    return %add3A_0, %c0_i32 : i32, i32
  }
}

</mosaic_0001>

<sc_bundles>
// kernel: kernel.6.cloned.1.call-start
scs
__scs_entry_jumppad:
0x0: {  	(pc) =	sbr.rel $0x88, $3  }
0x1: {  	(tag) =	ssettag $0x0;
	lr =	simm.s32 $0x1  }
0x2: {  	[smem:$0x3F99] =	sst lr;
	_ =	strace $0xD0000000  }
0x3: {  	_ = 	snop  }
0x4: {  	_ = 	snop  }
0x5: {  	_ = 	snop  }
0x6: {  	_ = 	snop  }
0x7: {  	_ = 	snop  }
__scs_overlays_trampoline_lowered:
0x8: {  	[smem:$0x3FA8] =	sst s0  }
0x9: {  	[smem:$0x3FA9] =	sst s1  }
0xa: {  	[smem:$0x3FAA] =	sst s2  }
0xb: {  	[smem:$0x3FAB] =	sst s3  }
0xc: {  	[smem:$0x3FAC] =	sst s4  }
0xd: {  	[smem:$0x3FAD] =	sst s5  }
0xe: {  	[smem:$0x3FAE] =	sst s6  }
0xf: {  	[smem:$0x3FAF] =	sst s7  }
0x10: {  	[smem:$0x3FB0] =	sst s8  }
0x11: {  	[smem:$0x3FB1] =	sst s9;
	s0 =	simm.s32 @!p0 $0x0  }
0x12: {  	s1 =	sld [smem:$0x3F97];
	s0 =	simm.s32 @p0 $0x1  }
0x13: {  	[smem:$0x3FB2] =	sst s0;
	s0 =	simm.s32 @!p1 $0x0  }
0x14: {  	s2 =	sld [smem:$0x3F96];
	s0 =	simm.s32 @p1 $0x1  }
0x15: {  	[smem:$0x3FB3] =	sst s0;
	s0 =	simm.s32 @!p2 $0x0  }
0x16: {  	s3 =	sld [smem:$0x3FDB];
	s0 =	simm.s32 @p2 $0x1  }
0x17: {  	s4 =	simm.s32 $0x1BF5;
	[smem:$0x3FB5] =	sst s0  }
0x18: {  	s0 =	sld [smem:$0x3F98];
	_ =	swait.ge [sflag:s4], $0x0  }
0x19: {  	s7 =	sld [smem:$0x3F99]  }
0x1a: {  	s8 =	sadd.s32 $0xFFFFE003, lr  }
0x1b: {  	s9 =	sadd.s32 $0xFFFFFEF7, lr;
	s5 =	simm.s32 $0xFFFFFFFF;
	p2 =	slt.u32 s8, $0xFFFFF086  }
0x1c: {  	p1 =	slt.u32 s9, $0xF7A;
	s5 =	simm.s32 @!p2 $0x0  }
0x1d: {  	s5 =	simm.s32 @p1 $0x1;
	p0 =	seq.s32 s7, s2  }
0x1e: {  	s7 =	smul.u32 @!p0 $0xF7A, s2;
	p2 =	seq.s32 @!p0 s5, $0x0  }
0x1f: {  	s9 =	smul.u32 $0xF7A, s1;
	s8 =	simm.s32 @!p0 $0x1BF5;
	p2 =	por !p2, p0  }
0x20: {  	[sflag:s8] =	ssyncset.s32 @!p0 $0xFFFFF086;
	s6 =	sadd.s32 @!p0 s3, s7;
	s7 =	simm.s32 @!p0 $0x108  }
0x21: {  	s3 =	sadd.s32 s3, s9;
	s6 =	sadd.s32 @!p0 $0x88, s6;
	s7 =	simm.s32 @p2 $0x1082  }
0x22: {  	[simem:s7], [sflag:s8] =	dma.local @!p0 [hbm:s6], $0xF7A  }
0x23: {  	s9 =	sor.u32 $0xD0000000, s2;
	s6 =	simm.s32 $0x108;
	_ =	swait.ge @!p0 [sflag:s8], $0x0  }
0x24: {  	s3 =	sadd.s32 $0x88, s3;
	s6 =	simm.s32 @!p1 $0x1082;
	[sflag:s4] =	ssyncset.s32 $0xFFFFF086  }
0x25: {  	[simem:s6], [sflag:s4] =	dma.local [hbm:s3], $0xF7A  }
0x26: {  	[smem:$0x3F99] =	sst s1;
	(tag) =	ssettag s2;
	_ =	strace s9  }
0x27: {  	s1 =	sld [smem:$0x3FA9]  }
0x28: {  	s2 =	sld [smem:$0x3FAA]  }
0x29: {  	s4 =	sld [smem:$0x3FAC]  }
0x2a: {  	p0 =	seq.s32 s5, $0x0;
	s5 =	sld [smem:$0x3FAD]  }
0x2b: {  	s6 =	sld [smem:$0x3FAE]  }
0x2c: {  	s7 =	sld [smem:$0x3FAF]  }
0x2d: {  	s3 =	simm.s32 $0x108;
	s8 =	sld [smem:$0x3FB0]  }
0x2e: {  	s3 =	simm.s32 @!p0 $0x1082;
	s9 =	sld [smem:$0x3FB1]  }
0x2f: {  	lr =	sadd.s32 s0, s3;
	s0 =	sld [smem:$0x3FA8]  }
0x30: {  	s3 =	sld [smem:$0x3FAB]  }
0x31: {  	[smem:$0x3FB4] =	sst s10  }
0x32: {  	s10 =	sld [smem:$0x3FB2];
	_ =	sdelay $0x3  }
0x33: {  	p0 =	seq.s32 s10, $0x1;
	s10 =	sld [smem:$0x3FB4];
	_ =	sdelay $0x3  }
0x34: {  	[smem:$0x3FB4] =	sst s10  }
0x35: {  	s10 =	sld [smem:$0x3FB3];
	_ =	sdelay $0x3  }
0x36: {  	p1 =	seq.s32 s10, $0x1;
	s10 =	sld [smem:$0x3FB4];
	_ =	sdelay $0x3  }
0x37: {  	[smem:$0x3FB4] =	sst s10  }
0x38: {  	s10 =	sld [smem:$0x3FB5]  }
0x39: {  	_ = 	snop;
	(pc) =	sbr.ind lr, $3  }
0x3a: {  	_ = 	snop  }
0x3b: {  	_ = 	snop  }
0x3c: {  	p2 =	seq.s32 s10, $0x1;
	s10 =	sld [smem:$0x3FB4]  }
0x3d: {  	_ =	shalt  }
0x3e: {  	_ =	shalt  }
0x3f: {  	_ =	shalt  }
0x40: {  	_ =	shalt  }
0x41: {  	_ =	shalt  }
0x42: {  	_ =	shalt  }
0x43: {  	_ =	shalt  }
0x44: {  	_ =	shalt  }
0x45: {  	_ =	shalt  }
0x46: {  	_ =	shalt  }
0x47: {  	_ =	shalt  }
0x48: {  	_ =	shalt  }
0x49: {  	_ =	shalt  }
0x4a: {  	_ =	shalt  }
0x4b: {  	_ =	shalt  }
0x4c: {  	_ =	shalt  }
0x4d: {  	_ =	shalt  }
0x4e: {  	_ =	shalt  }
0x4f: {  	_ =	shalt  }
0x50: {  	_ =	shalt  }
0x51: {  	_ =	shalt  }
0x52: {  	_ =	shalt  }
0x53: {  	_ =	shalt  }
0x54: {  	_ =	shalt  }
0x55: {  	_ =	shalt  }
0x56: {  	_ =	shalt  }
0x57: {  	_ =	shalt  }
0x58: {  	_ =	shalt  }
0x59: {  	_ =	shalt  }
0x5a: {  	_ =	shalt  }
0x5b: {  	_ =	shalt  }
0x5c: {  	_ =	shalt  }
0x5d: {  	_ =	shalt  }
0x5e: {  	_ =	shalt  }
0x5f: {  	_ =	shalt  }
0x60: {  	_ =	shalt  }
0x61: {  	_ =	shalt  }
0x62: {  	_ =	shalt  }
0x63: {  	_ =	shalt  }
0x64: {  	_ =	shalt  }
0x65: {  	_ =	shalt  }
0x66: {  	_ =	shalt  }
0x67: {  	_ =	shalt  }
0x68: {  	_ =	shalt  }
0x69: {  	_ =	shalt  }
0x6a: {  	_ =	shalt  }
0x6b: {  	_ =	shalt  }
0x6c: {  	_ =	shalt  }
0x6d: {  	_ =	shalt  }
0x6e: {  	_ =	shalt  }
0x6f: {  	_ =	shalt  }
0x70: {  	_ =	shalt  }
0x71: {  	_ =	shalt  }
0x72: {  	_ =	shalt  }
0x73: {  	_ =	shalt  }
0x74: {  	_ =	shalt  }
0x75: {  	_ =	shalt  }
0x76: {  	_ =	shalt  }
0x77: {  	_ =	shalt  }
0x78: {  	_ =	shalt  }
0x79: {  	_ =	shalt  }
0x7a: {  	_ =	shalt  }
0x7b: {  	_ =	shalt  }
0x7c: {  	_ =	shalt  }
0x7d: {  	_ =	shalt  }
0x7e: {  	_ =	shalt  }
0x7f: {  	_ =	shalt  }
0x80: {  	_ =	shalt  }
0x81: {  	_ =	shalt  }
0x82: {  	_ =	shalt  }
0x83: {  	_ =	shalt  }
0x84: {  	_ =	shalt  }
0x85: {  	_ =	shalt  }
0x86: {  	_ =	shalt  }
0x87: {  	_ =	shalt  }
.Lfunc_end0:
.L_simem_size_0:
called_computation_lowered:
.L_overlay_start_0:
0x88: {  	s2 =	sld [smem:$0x3FD9]  }
0x89: {  	s3 =	sld [smem:$0x3FFE];
	_ =	sdelay $0x1  }
0x8a: {  	s1 =	srdreg.scid  }
0x8b: {  	s0 =	sand.u32 $0x1, s1  }
0x8c: {  	s15 =	sshll.u32 s0, $0xA;
	s2 =	sadd.s32 s3, s2  }
0x8d: {  	s2 =	sadd.s32 s2, s15  }
0x8e: {  	[smem:$0x3FC0] =	sst s2  }
0x8f: {  	_ = 	snop  }
0x90: {  	s2 =	sld [smem:$0x3FC9]  }
0x91: {  	s16 =	sld [smem:$0x3FD0]  }
0x92: {  	s4 =	sld [smem:$0x3FC8]  }
0x93: {  	s5 =	sld [smem:$0x3FC7]  }
0x94: {  	s7 =	simm.s32 $0xB;
	s8 =	simm.s32 $0x10;
	s6 =	sld [smem:$0x3FC6]  }
0x95: {  	[smem:s8], [sflag:s7] =	dma.local [hbm:s16], $0x1  }
0x96: {  	_ =	swait.eq [sflag:s7], $0x1  }
0x97: {  	[sflag:s7] =	ssyncset.done $0x0  }
0x98: {  	s17 =	sld [smem:$0x11];
	[sflag:s7] =	ssyncadd.s32 $0xFFFFFFFF  }
0x99: {  	s18 =	sld [smem:$0x12];
	(tm) =	ssettm $0x1  }
0x9a: {  	s19 =	sld [smem:$0x3FFB];
	_ =	sdelay $0x3  }
0x9b: {  	_ =	strace s19  }
0x9c: {  	s8 =	sld [smem:$0x3FFC];
	_ =	sdelay $0x3  }
0x9d: {  	_ =	strace s8  }
0x9e: {  	s8 =	sld [smem:$0x3FFD];
	_ =	sdelay $0x3  }
0x9f: {  	_ =	strace s8  }
0xa0: {  	_ =	strace $0x8FFFFFFF  }
0xa1: {  	s20 =	sld [smem:$0x3FDB];
	_ =	sdelay $0x1  }
0xa2: {  	s9 =	simm.s32 $_scs_section_size  }
0xa3: {  	s10 =	simm.s32 $_size__tile_overlayer_lowered;
	s11 =	simm.s32 $_tile_overlayer_lowered  }
0xa4: {  	s23 =	simm.s32 $0x1BFF;
	s22 =	sshll.u32 s11, $0x1;
	s8 =	sadd.s32 s9, s20  }
0xa5: {  	s12 =	simm.s32 $0x0;
	s21 =	sshll.u32 s10, $0x1;
	s10 =	sadd.s32 s22, s8  }
0xa6: {  	[timem:s12], [sflag:s23] =	dma.local [hbm:s10], s21  }
0xa7: {  	_ =	swait.ge [sflag:s23], s21  }
0xa8: {  	s9 =	ssub.s32 $0x0, s21;
	[sflag:s23] =	ssyncset.done $0x0  }
0xa9: {  	[sflag:s23] =	ssyncadd.s32 s9;
	_ =	sdelay $0x1  }
0xaa: {  	s24 =	simm.s32 $0x1B8B  }
0xab: {  	_ =	swait.ge [sflag:s24], $0x1  }
0xac: {  	[sflag:s24] =	ssyncset.done $0x0  }
0xad: {  	s25 =	simm.s32 $0x1B8E;
	[sflag:s24] =	ssyncadd.s32 $0xFFFFFFFF  }
0xae: {  	s26 =	simm.s32 $execute0_lowered;
	[smem:$0x3FD2] =	sst s25  }
0xaf: {  	s9 =	sshll.u32 s26, $0x1;
	_ =	strace $0x80000046;
	[dreg:$0x1] =	wrdreg $0xFFFFFFFF  }
0xb0: {  	s28 =	simm.s32 $_size_execute0_lowered;
	s8 =	sadd.s32 s8, s9;
	[dreg:$0x0] =	wrdreg $0x0  }
0xb1: {  	s9 =	sshll.u32 s28, $0x1;
	[dreg:$0x2] =	wrdreg s8  }
0xb2: {  	[dreg:$0x3] =	wrdreg s9  }
0xb3: {  	[dreg:$0x4] =	wrdreg $0xC0  }
0xb4: {  	_ =	task [dreg:s12], $0x5FFFF  }
0xb5: {  	[dreg:$0x1] =	wrdreg $0xFFFFFFFF  }
0xb6: {  	[dreg:$0x0] =	wrdreg $0x60  }
0xb7: {  	[dreg:$0x2] =	wrdreg s2  }
0xb8: {  	[dreg:$0x3] =	wrdreg s4  }
0xb9: {  	[dreg:$0x4] =	wrdreg s5  }
0xba: {  	[dreg:$0x5] =	wrdreg s6  }
0xbb: {  	[dreg:$0x6] =	wrdreg s18  }
0xbc: {  	[dreg:$0x7] =	wrdreg s17  }
0xbd: {  	[dreg:$0x8] =	wrdreg $0x9  }
0xbe: {  	_ =	task.clear_ibuf [dreg:s12], $0x9FFFF;
	_ =	strace $0x90000046  }
0xbf: {  	s29 =	simm.s32 $0x9;
	_ =	strace $0x80000048  }
0xc0: {  	_ =	swait.ge [sflag:s29], $0x1  }
0xc1: {  	[sflag:s29] =	ssyncadd.s32 $0xFFFFFFFF  }
0xc2: {  	_ =	strace $0x90000048  }
0xc3: {  	_ =	sfence  }
0xc4: {  	s30 =	sld [smem:$0x0];
	_ =	sdelay $0x2  }
0xc5: {  	s31 =	sshll.u32 s1, $0xD;
	s1 =	sshrl.u32 s1, $0x2  }
0xc6: {  	s3 =	sand.u32 $0x4000, s31;
	s1 =	sadd.s32 s1, s30  }
0xc7: {  	s0 =	sor.u32 s3, s0;
	s1 =	sshll.u32 s1, $0x11  }
0xc8: {  	s0 =	sor.u32 s1, s0  }
0xc9: {  	s0 =	sadd.s32 $0x8F2B, s0  }
0xca: {  	[sflag:s0] =	ssyncadd.remote.s32 $0x1  }
0xcb: {  	_ =	sfence.sel $0xFFFF  }
0xcc: {  	[dreg:$0x0] =	wrdreg $0xFFFFFFFF;
	(pc) =	sbr.abs _section_cstart, $3  }
0xcd: {  	[dreg:$0x1] =	wrdreg $0xFFFFFFFF  }
0xce: {  	_ =	task.clear_ibuf [dreg:s12], $0x2FFFF;
	_ =	strace $0x9FFFFFFF  }
0xcf: {  	(tm) =	ssettm $0x7FFFFFFF  }
tec
execute0_lowered:
.L_overlay_start_1:
0x0: {  	(tag) =	ssettag $0x1  }
0x1: {  	s5 =	rddreg [dreg:$0x0]  }
0x2: {  	s6 =	rddreg [dreg:$0x1]  }
0x3: {  	s1 =	rddreg [dreg:$0x2]  }
0x4: {  	s3 =	rddreg [dreg:$0x3]  }
0x5: {  	s2 =	srdreg.scid;
	s0 =	stileid.u32  }
0x6: {  	s18 =	rddreg [dreg:$0x4];
	s25 =	sand.u32 $0x1, s2;
	s7 =	sshll.u32 s0, $0x1  }
0x7: {  	s22 =	rddreg [dreg:$0x5];
	s4 =	simm.s32 $0x0;
	s16 =	sor.u32 s25, s7  }
0x8: {  	[smem:$0x7FF] =	sst s4;
	s7 =	sshll.u32 s16, $0x5  }
0x9: {  	s2 =	rddreg [dreg:$0x6];
	_ =	strace $0x80000047;
	s5 =	sadd.s32 s5, s7  }
0xa: {  	[tilespmem:s4], [sflag:$0x9] =	stream.linear.gather [hbm4b:s5+s4], $0x100, $0x38;
	[tilespmem:$0x10200] =	vst v63  }
0xb: {  	s8 =	simm.s32 $0x9;
	s6 =	sadd.s32 s6, s7;
	s7 =	simm.s32 $0x100  }
0xc: {  	[tilespmem:s7], [sflag:$0x9] =	stream.linear.gather [hbm4b:s6+s4], $0x100, $0x38;
	[tilespmem:$0x10200] =	vst v63  }
0xd: {  	_ =	swait.ge [sflag:s8], $0x100  }
0xe: {  	[sflag:s8] =	ssyncset.done $0x0  }
0xf: {  	[sflag:s8] =	ssyncadd.s32 $0xFFFFFF00  }
0x10: {  	_ =	swait.ge [sflag:s8], $0x100  }
0x11: {  	[sflag:s8] =	ssyncset.done $0x0  }
0x12: {  	s9 =	simm.s32 $0x80;
	s10 =	simm.s32 $0x200;
	[sflag:s8] =	ssyncadd.s32 $0xFFFFFF00  }
0x13: {  	[tilespmem:s10], [sflag:$0x1] =	stream.indirect.gather [hbm4b:s1+s9], $0x80, s4, s9, $0xb8;
	[tilespmem:$0x10200] =	vst v63  }
0x14: {  	s11 =	simm.s32 $0x4200  }
0x15: {  	[tilespmem:s11], [sflag:$0x2] =	stream.indirect.gather [hbm4b:s1+s9], $0x80, s9, s9, $0xb8;
	[tilespmem:$0x10200] =	vst v63  }
0x16: {  	s12 =	simm.s32 $0x8200  }
0x17: {  	[tilespmem:s12], [sflag:$0x3] =	stream.indirect.gather [hbm4b:s3+s9], $0x80, s7, s9, $0xb8;
	[tilespmem:$0x10200] =	vst v63  }
0x18: {  	s13 =	simm.s32 $0x180;
	s14 =	simm.s32 $0xC200;
	s15 =	simm.s32 $0x1  }
0x19: {  	[tilespmem:s14], [sflag:$0x4] =	stream.indirect.gather [hbm4b:s3+s9], $0x80, s13, s9, $0xb8;
	[tilespmem:$0x10200] =	vst v63  }
0x1a: {  	_ =	swait.ge [sflag:s15], $0x4000  }
0x1b: {  	s20 =	sshll.u32 s16, $0xC;
	[sflag:s15] =	ssyncset.done $0x0  }
0x1c: {  	s17 =	simm.s32 $0x2;
	s16 =	sadd.s32 s18, s20;
	[sflag:s15] =	ssyncadd.s32 $0xFFFFC000  }
0x1d: {  	[hbm4b:s16+s4] =	stream.linear.scatter [tilespmem:s10], [sflag:$0x5], $0x4000, $0x38;
	[tilespmem:$0x10200] =	vst v63  }
0x1e: {  	_ =	swait.ge [sflag:s17], $0x4000  }
0x1f: {  	s23 =	sor.u32 $0x800, s20;
	[sflag:s17] =	ssyncset.done $0x0  }
0x20: {  	s19 =	simm.s32 $0x3;
	s18 =	sadd.s32 s18, s23;
	[sflag:s17] =	ssyncadd.s32 $0xFFFFC000  }
0x21: {  	[hbm4b:s18+s4] =	stream.linear.scatter [tilespmem:s11], [sflag:$0x6], $0x4000, $0x38;
	[tilespmem:$0x10200] =	vst v63  }
0x22: {  	_ =	swait.ge [sflag:s19], $0x4000  }
0x23: {  	[sflag:s19] =	ssyncset.done $0x0  }
0x24: {  	s21 =	simm.s32 $0x4;
	s20 =	sadd.s32 s22, s20;
	[sflag:s19] =	ssyncadd.s32 $0xFFFFC000  }
0x25: {  	[hbm4b:s20+s4] =	stream.linear.scatter [tilespmem:s12], [sflag:$0x7], $0x4000, $0x38;
	[tilespmem:$0x10200] =	vst v63  }
0x26: {  	_ =	swait.ge [sflag:s21], $0x4000  }
0x27: {  	[sflag:s21] =	ssyncset.done $0x0  }
0x28: {  	s22 =	sadd.s32 s22, s23;
	s23 =	simm.s32 $0x5;
	[sflag:s21] =	ssyncadd.s32 $0xFFFFC000  }
0x29: {  	[hbm4b:s22+s4] =	stream.linear.scatter [tilespmem:s14], [sflag:$0x8], $0x4000, $0x38;
	[tilespmem:$0x10200] =	vst v63  }
0x2a: {  	_ =	swait.ge [sflag:s23], $0x4000  }
0x2b: {  	s26 =	ssub.s32 $0x2, s25;
	[sflag:s23] =	ssyncset.done $0x0  }
0x2c: {  	s24 =	simm.s32 $0x6;
	s28 =	sshrl.u32 s26, $0x1;
	[sflag:s23] =	ssyncadd.s32 $0xFFFFC000  }
0x2d: {  	s26 =	ssub.s32 s26, s28;
	_ =	swait.ge [sflag:s24], $0x4000  }
0x2e: {  	s28 =	smax.u32 s26, $0x1;
	[sflag:s24] =	ssyncset.done $0x0  }
0x2f: {  	s25 =	simm.s32 $0x7;
	p0 =	sne.s32 s28, $0x1;
	[sflag:s24] =	ssyncadd.s32 $0xFFFFC000  }
.Ltmp0:
0x30: {  	_ =	swait.ge [sflag:s25], $0x4000;
	(pc) =	sbr.rel @!p0 .LBB2_2-.Ltmp0, $4  }
0x31: {  	[sflag:s25] =	ssyncset.done $0x0  }
0x32: {  	s26 =	simm.s32 $0x8;
	[sflag:s25] =	ssyncadd.s32 $0xFFFFC000  }
0x33: {  	_ =	swait.ge [sflag:s26], $0x4000  }
0x34: {  	s28 =	sadd.s32 $0xFFFFFFFF, s28;
	[sflag:s26] =	ssyncset.done $0x0  }
.LBB2_1:
0x35: {  	p0 =	sne.s32 s28, $0x1;
	s28 =	sadd.s32 $0xFFFFFFFF, s28;
	[sflag:s26] =	ssyncadd.s32 $0xFFFFC000  }
0x36: {  	[tilespmem:s4], [sflag:$0x9] =	stream.linear.gather [hbm4b:s5+s4], $0x100, $0x38;
	[tilespmem:$0x10200] =	vst v63  }
0x37: {  	_ = 	snop  }
0x38: {  	[tilespmem:s7], [sflag:$0x9] =	stream.linear.gather [hbm4b:s6+s4], $0x100, $0x38;
	[tilespmem:$0x10200] =	vst v63  }
0x39: {  	_ =	swait.ge [sflag:s8], $0x100  }
0x3a: {  	[sflag:s8] =	ssyncset.done $0x0  }
0x3b: {  	[sflag:s8] =	ssyncadd.s32 $0xFFFFFF00  }
0x3c: {  	_ =	swait.ge [sflag:s8], $0x100  }
0x3d: {  	[sflag:s8] =	ssyncset.done $0x0  }
0x3e: {  	[sflag:s8] =	ssyncadd.s32 $0xFFFFFF00  }
0x3f: {  	[tilespmem:s10], [sflag:$0x1] =	stream.indirect.gather [hbm4b:s1+s9], $0x80, s4, s9, $0xb8;
	[tilespmem:$0x10200] =	vst v63  }
0x40: {  	_ = 	snop  }
0x41: {  	[tilespmem:s11], [sflag:$0x2] =	stream.indirect.gather [hbm4b:s1+s9], $0x80, s9, s9, $0xb8;
	[tilespmem:$0x10200] =	vst v63  }
0x42: {  	_ = 	snop  }
0x43: {  	[tilespmem:s12], [sflag:$0x3] =	stream.indirect.gather [hbm4b:s3+s9], $0x80, s7, s9, $0xb8;
	[tilespmem:$0x10200] =	vst v63  }
0x44: {  	_ = 	snop  }
0x45: {  	[tilespmem:s14], [sflag:$0x4] =	stream.indirect.gather [hbm4b:s3+s9], $0x80, s13, s9, $0xb8;
	[tilespmem:$0x10200] =	vst v63  }
0x46: {  	_ =	swait.ge [sflag:s15], $0x4000  }
0x47: {  	[sflag:s15] =	ssyncset.done $0x0  }
0x48: {  	[sflag:s15] =	ssyncadd.s32 $0xFFFFC000  }
0x49: {  	[hbm4b:s16+s4] =	stream.linear.scatter [tilespmem:s10], [sflag:$0x5], $0x4000, $0x38;
	[tilespmem:$0x10200] =	vst v63  }
0x4a: {  	_ =	swait.ge [sflag:s17], $0x4000  }
0x4b: {  	[sflag:s17] =	ssyncset.done $0x0  }
0x4c: {  	[sflag:s17] =	ssyncadd.s32 $0xFFFFC000  }
0x4d: {  	[hbm4b:s18+s4] =	stream.linear.scatter [tilespmem:s11], [sflag:$0x6], $0x4000, $0x38;
	[tilespmem:$0x10200] =	vst v63  }
0x4e: {  	_ =	swait.ge [sflag:s19], $0x4000  }
0x4f: {  	[sflag:s19] =	ssyncset.done $0x0  }
0x50: {  	[sflag:s19] =	ssyncadd.s32 $0xFFFFC000  }
0x51: {  	[hbm4b:s20+s4] =	stream.linear.scatter [tilespmem:s12], [sflag:$0x7], $0x4000, $0x38;
	[tilespmem:$0x10200] =	vst v63  }
0x52: {  	_ =	swait.ge [sflag:s21], $0x4000  }
0x53: {  	[sflag:s21] =	ssyncset.done $0x0  }
0x54: {  	[sflag:s21] =	ssyncadd.s32 $0xFFFFC000  }
0x55: {  	[hbm4b:s22+s4] =	stream.linear.scatter [tilespmem:s14], [sflag:$0x8], $0x4000, $0x38;
	[tilespmem:$0x10200] =	vst v63  }
0x56: {  	_ =	swait.ge [sflag:s23], $0x4000  }
0x57: {  	[sflag:s23] =	ssyncset.done $0x0  }
0x58: {  	[sflag:s23] =	ssyncadd.s32 $0xFFFFC000  }
0x59: {  	_ =	swait.ge [sflag:s24], $0x4000  }
0x5a: {  	[sflag:s24] =	ssyncset.done $0x0  }
0x5b: {  	[sflag:s24] =	ssyncadd.s32 $0xFFFFC000  }
.Ltmp1:
0x5c: {  	_ =	swait.ge [sflag:s25], $0x4000;
	(pc) =	sbr.rel @p0 .LBB2_1-.Ltmp1, $4  }
0x5d: {  	[sflag:s25] =	ssyncset.done $0x0  }
0x5e: {  	[sflag:s25] =	ssyncadd.s32 $0xFFFFC000  }
0x5f: {  	_ =	swait.ge [sflag:s26], $0x4000  }
0x60: {  	[sflag:s26] =	ssyncset.done $0x0  }
.LBB2_2:
0x61: {  	[sflag:s26] =	ssyncadd.s32 $0xFFFFC000  }
0x62: {  	_ =	sfence.sel $0x180000  }
0x63: {  	[bflag:$0x0] =	sbarrier.arrive $0xFFFF  }
0x64: {  	p0 =	sne.s32 s0, $0x0;
	_ =	strace $0x90000047  }
0x65: {  	s0 =	sadd.s32 @!p0 $0x100000, s2;
	[bflag:$0x2] =	sbarrier.arrive $0xFFFF  }
0x66: {  	[sflag:s0] =	ssyncadd.tile.s32 @!p0 $0x1;
	_ =	shalt  }
.Lfunc_end2:
_tile_overlayer_lowered:
.L_overlay_start_2:
0x67: {  	(tag) =	ssettag $0x2  }
0x68: {  	s0 =	rddreg [dreg:$0x0];
	s2 =	stileid.u32  }
0x69: {  	s1 =	rddreg [dreg:$0x1];
	p0 =	sne.s32 s2, $0x0  }
0x6a: {  	s3 =	rddreg [dreg:$0x2];
	[bflag:$0x3] =	sbarrier.arrive $0xFFFF;
	s2 =	simm.s32 @!p0 $0x1C0A  }
0x6b: {  	[timem:s3], [sflag:s2] =	dma.local @!p0 [hbm:s0], s1  }
0x6c: {  	s0 =	simm.s32 @!p0 $0xA  }
0x6d: {  	_ =	swait.ge @!p0 [sflag:s0], s1  }
0x6e: {  	s1 =	ssub.s32 @!p0 $0x0, s1;
	[sflag:s0] =	ssyncset.done @!p0 $0x0  }
0x6f: {  	[sflag:s0] =	ssyncadd.s32 @!p0 s1  }
0x70: {  	[bflag:$0x3] =	sbarrier.arrive $0xFFFF  }
0x71: {  	_ =	shalt  }

// kernel: kernel.9.cloned.1.call-start
scs
__scs_entry_jumppad:
0x0: {  	(pc) =	sbr.rel $0x88, $3  }
0x1: {  	(tag) =	ssettag $0x0;
	lr =	simm.s32 $0x1  }
0x2: {  	[smem:$0x3F99] =	sst lr;
	_ =	strace $0xD0000000  }
0x3: {  	_ = 	snop  }
0x4: {  	_ = 	snop  }
0x5: {  	_ = 	snop  }
0x6: {  	_ = 	snop  }
0x7: {  	_ = 	snop  }
__scs_overlays_trampoline_lowered:
0x8: {  	[smem:$0x3FA8] =	sst s0  }
0x9: {  	[smem:$0x3FA9] =	sst s1  }
0xa: {  	[smem:$0x3FAA] =	sst s2  }
0xb: {  	[smem:$0x3FAB] =	sst s3  }
0xc: {  	[smem:$0x3FAC] =	sst s4  }
0xd: {  	[smem:$0x3FAD] =	sst s5  }
0xe: {  	[smem:$0x3FAE] =	sst s6  }
0xf: {  	[smem:$0x3FAF] =	sst s7  }
0x10: {  	[smem:$0x3FB0] =	sst s8  }
0x11: {  	[smem:$0x3FB1] =	sst s9;
	s0 =	simm.s32 @!p0 $0x0  }
0x12: {  	s1 =	sld [smem:$0x3F97];
	s0 =	simm.s32 @p0 $0x1  }
0x13: {  	[smem:$0x3FB2] =	sst s0;
	s0 =	simm.s32 @!p1 $0x0  }
0x14: {  	s2 =	sld [smem:$0x3F96];
	s0 =	simm.s32 @p1 $0x1  }
0x15: {  	[smem:$0x3FB3] =	sst s0;
	s0 =	simm.s32 @!p2 $0x0  }
0x16: {  	s3 =	sld [smem:$0x3FDB];
	s0 =	simm.s32 @p2 $0x1  }
0x17: {  	s4 =	simm.s32 $0x1BF5;
	[smem:$0x3FB5] =	sst s0  }
0x18: {  	s0 =	sld [smem:$0x3F98];
	_ =	swait.ge [sflag:s4], $0x0  }
0x19: {  	s7 =	sld [smem:$0x3F99]  }
0x1a: {  	s8 =	sadd.s32 $0xFFFFE003, lr  }
0x1b: {  	s9 =	sadd.s32 $0xFFFFFEF7, lr;
	s5 =	simm.s32 $0xFFFFFFFF;
	p2 =	slt.u32 s8, $0xFFFFF086  }
0x1c: {  	p1 =	slt.u32 s9, $0xF7A;
	s5 =	simm.s32 @!p2 $0x0  }
0x1d: {  	s5 =	simm.s32 @p1 $0x1;
	p0 =	seq.s32 s7, s2  }
0x1e: {  	s7 =	smul.u32 @!p0 $0xF7A, s2;
	p2 =	seq.s32 @!p0 s5, $0x0  }
0x1f: {  	s9 =	smul.u32 $0xF7A, s1;
	s8 =	simm.s32 @!p0 $0x1BF5;
	p2 =	por !p2, p0  }
0x20: {  	[sflag:s8] =	ssyncset.s32 @!p0 $0xFFFFF086;
	s6 =	sadd.s32 @!p0 s3, s7;
	s7 =	simm.s32 @!p0 $0x108  }
0x21: {  	s3 =	sadd.s32 s3, s9;
	s6 =	sadd.s32 @!p0 $0x88, s6;
	s7 =	simm.s32 @p2 $0x1082  }
0x22: {  	[simem:s7], [sflag:s8] =	dma.local @!p0 [hbm:s6], $0xF7A  }
0x23: {  	s9 =	sor.u32 $0xD0000000, s2;
	s6 =	simm.s32 $0x108;
	_ =	swait.ge @!p0 [sflag:s8], $0x0  }
0x24: {  	s3 =	sadd.s32 $0x88, s3;
	s6 =	simm.s32 @!p1 $0x1082;
	[sflag:s4] =	ssyncset.s32 $0xFFFFF086  }
0x25: {  	[simem:s6], [sflag:s4] =	dma.local [hbm:s3], $0xF7A  }
0x26: {  	[smem:$0x3F99] =	sst s1;
	(tag) =	ssettag s2;
	_ =	strace s9  }
0x27: {  	s1 =	sld [smem:$0x3FA9]  }
0x28: {  	s2 =	sld [smem:$0x3FAA]  }
0x29: {  	s4 =	sld [smem:$0x3FAC]  }
0x2a: {  	p0 =	seq.s32 s5, $0x0;
	s5 =	sld [smem:$0x3FAD]  }
0x2b: {  	s6 =	sld [smem:$0x3FAE]  }
0x2c: {  	s7 =	sld [smem:$0x3FAF]  }
0x2d: {  	s3 =	simm.s32 $0x108;
	s8 =	sld [smem:$0x3FB0]  }
0x2e: {  	s3 =	simm.s32 @!p0 $0x1082;
	s9 =	sld [smem:$0x3FB1]  }
0x2f: {  	lr =	sadd.s32 s0, s3;
	s0 =	sld [smem:$0x3FA8]  }
0x30: {  	s3 =	sld [smem:$0x3FAB]  }
0x31: {  	[smem:$0x3FB4] =	sst s10  }
0x32: {  	s10 =	sld [smem:$0x3FB2];
	_ =	sdelay $0x3  }
0x33: {  	p0 =	seq.s32 s10, $0x1;
	s10 =	sld [smem:$0x3FB4];
	_ =	sdelay $0x3  }
0x34: {  	[smem:$0x3FB4] =	sst s10  }
0x35: {  	s10 =	sld [smem:$0x3FB3];
	_ =	sdelay $0x3  }
0x36: {  	p1 =	seq.s32 s10, $0x1;
	s10 =	sld [smem:$0x3FB4];
	_ =	sdelay $0x3  }
0x37: {  	[smem:$0x3FB4] =	sst s10  }
0x38: {  	s10 =	sld [smem:$0x3FB5]  }
0x39: {  	_ = 	snop;
	(pc) =	sbr.ind lr, $3  }
0x3a: {  	_ = 	snop  }
0x3b: {  	_ = 	snop  }
0x3c: {  	p2 =	seq.s32 s10, $0x1;
	s10 =	sld [smem:$0x3FB4]  }
0x3d: {  	_ =	shalt  }
0x3e: {  	_ =	shalt  }
0x3f: {  	_ =	shalt  }
0x40: {  	_ =	shalt  }
0x41: {  	_ =	shalt  }
0x42: {  	_ =	shalt  }
0x43: {  	_ =	shalt  }
0x44: {  	_ =	shalt  }
0x45: {  	_ =	shalt  }
0x46: {  	_ =	shalt  }
0x47: {  	_ =	shalt  }
0x48: {  	_ =	shalt  }
0x49: {  	_ =	shalt  }
0x4a: {  	_ =	shalt  }
0x4b: {  	_ =	shalt  }
0x4c: {  	_ =	shalt  }
0x4d: {  	_ =	shalt  }
0x4e: {  	_ =	shalt  }
0x4f: {  	_ =	shalt  }
0x50: {  	_ =	shalt  }
0x51: {  	_ =	shalt  }
0x52: {  	_ =	shalt  }
0x53: {  	_ =	shalt  }
0x54: {  	_ =	shalt  }
0x55: {  	_ =	shalt  }
0x56: {  	_ =	shalt  }
0x57: {  	_ =	shalt  }
0x58: {  	_ =	shalt  }
0x59: {  	_ =	shalt  }
0x5a: {  	_ =	shalt  }
0x5b: {  	_ =	shalt  }
0x5c: {  	_ =	shalt  }
0x5d: {  	_ =	shalt  }
0x5e: {  	_ =	shalt  }
0x5f: {  	_ =	shalt  }
0x60: {  	_ =	shalt  }
0x61: {  	_ =	shalt  }
0x62: {  	_ =	shalt  }
0x63: {  	_ =	shalt  }
0x64: {  	_ =	shalt  }
0x65: {  	_ =	shalt  }
0x66: {  	_ =	shalt  }
0x67: {  	_ =	shalt  }
0x68: {  	_ =	shalt  }
0x69: {  	_ =	shalt  }
0x6a: {  	_ =	shalt  }
0x6b: {  	_ =	shalt  }
0x6c: {  	_ =	shalt  }
0x6d: {  	_ =	shalt  }
0x6e: {  	_ =	shalt  }
0x6f: {  	_ =	shalt  }
0x70: {  	_ =	shalt  }
0x71: {  	_ =	shalt  }
0x72: {  	_ =	shalt  }
0x73: {  	_ =	shalt  }
0x74: {  	_ =	shalt  }
0x75: {  	_ =	shalt  }
0x76: {  	_ =	shalt  }
0x77: {  	_ =	shalt  }
0x78: {  	_ =	shalt  }
0x79: {  	_ =	shalt  }
0x7a: {  	_ =	shalt  }
0x7b: {  	_ =	shalt  }
0x7c: {  	_ =	shalt  }
0x7d: {  	_ =	shalt  }
0x7e: {  	_ =	shalt  }
0x7f: {  	_ =	shalt  }
0x80: {  	_ =	shalt  }
0x81: {  	_ =	shalt  }
0x82: {  	_ =	shalt  }
0x83: {  	_ =	shalt  }
0x84: {  	_ =	shalt  }
0x85: {  	_ =	shalt  }
0x86: {  	_ =	shalt  }
0x87: {  	_ =	shalt  }
.Lfunc_end0:
.L_simem_size_0:
called_computation.1_lowered:
.L_overlay_start_0:
0x88: {  	s2 =	sld [smem:$0x3FD9]  }
0x89: {  	s3 =	sld [smem:$0x3FFE];
	_ =	sdelay $0x1  }
0x8a: {  	s1 =	srdreg.scid  }
0x8b: {  	s0 =	sand.u32 $0x1, s1  }
0x8c: {  	s17 =	sshll.u32 s0, $0xA;
	s2 =	sadd.s32 s3, s2  }
0x8d: {  	s2 =	sadd.s32 s2, s17  }
0x8e: {  	[smem:$0x3FC0] =	sst s2  }
0x8f: {  	_ = 	snop  }
0x90: {  	s18 =	sld [smem:$0x3FC9]  }
0x91: {  	s4 =	sld [smem:$0x3FC8]  }
0x92: {  	s5 =	sld [smem:$0x3FC7]  }
0x93: {  	s6 =	sld [smem:$0x3FC6];
	(tm) =	ssettm $0x1  }
0x94: {  	s19 =	sld [smem:$0x3FFB];
	_ =	sdelay $0x3  }
0x95: {  	_ =	strace s19  }
0x96: {  	s2 =	sld [smem:$0x3FFC];
	_ =	sdelay $0x3  }
0x97: {  	_ =	strace s2  }
0x98: {  	s2 =	sld [smem:$0x3FFD];
	_ =	sdelay $0x3  }
0x99: {  	_ =	strace s2  }
0x9a: {  	_ =	strace $0x8FFFFFFF  }
0x9b: {  	s20 =	sld [smem:$0x3FDB];
	_ =	sdelay $0x1  }
0x9c: {  	s7 =	simm.s32 $_scs_section_size  }
0x9d: {  	s8 =	simm.s32 $_size__tile_overlayer_lowered;
	s9 =	simm.s32 $_tile_overlayer_lowered  }
0x9e: {  	s10 =	simm.s32 $0x1BFF;
	s21 =	sshll.u32 s9, $0x1;
	s7 =	sadd.s32 s7, s20  }
0x9f: {  	s22 =	simm.s32 $0x0;
	s8 =	sshll.u32 s8, $0x1;
	s9 =	sadd.s32 s21, s7  }
0xa0: {  	[timem:s22], [sflag:s10] =	dma.local [hbm:s9], s8  }
0xa1: {  	_ =	swait.ge [sflag:s10], s8  }
0xa2: {  	s8 =	ssub.s32 $0x0, s8;
	[sflag:s10] =	ssyncset.done $0x0  }
0xa3: {  	[sflag:s10] =	ssyncadd.s32 s8;
	_ =	sdelay $0x1  }
0xa4: {  	s23 =	simm.s32 $0x1B8B  }
0xa5: {  	_ =	swait.ge [sflag:s23], $0x1  }
0xa6: {  	[sflag:s23] =	ssyncset.done $0x0  }
0xa7: {  	[sflag:s23] =	ssyncadd.s32 $0xFFFFFFFF  }
0xa8: {  	s8 =	sld [smem:$0x0]  }
0xa9: {  	s9 =	sand.u32 $0xFFFFFFFE, s1  }
0xaa: {  	p0 =	sne.s32 s1, s9  }
0xab: {  	s9 =	sshll.u32 @p0 s9, $0xE  }
0xac: {  	s9 =	sadd.s32 @p0 $0x11B8D, s9;
	s10 =	sshll.u32 @p0 s8, $0x11  }
0xad: {  	s9 =	sor.u32 @p0 s10, s9  }
0xae: {  	[sflag:s9] =	ssyncadd.remote.s32 @p0 $0x1;
	_ =	sdelay $0x1  }
0xaf: {  	s9 =	simm.s32 @p0 $0x1B8D  }
0xb0: {  	_ =	swait.eq @p0 [sflag:s9], $0x1  }
0xb1: {  	[sflag:s9] =	ssyncadd.s32 @p0 $0xFFFFFFFF  }
0xb2: {  	s10 =	sshll.u32 @!p0 s1, $0xE  }
0xb3: {  	s10 =	sor.u32 @!p0 $0x4000, s10;
	s9 =	simm.s32 @!p0 $0x1B8D  }
0xb4: {  	s8 =	sshll.u32 @!p0 s8, $0x11;
	s10 =	sadd.s32 @!p0 $0x11B8D, s10;
	_ =	swait.eq @!p0 [sflag:s9], $0x1  }
0xb5: {  	s8 =	sor.u32 @!p0 s8, s10;
	[sflag:s9] =	ssyncadd.s32 @!p0 $0xFFFFFFFF  }
0xb6: {  	s25 =	simm.s32 $0x1B8E;
	s24 =	sld [smem:$0x3FFE];
	[sflag:s8] =	ssyncadd.remote.s32 @!p0 $0x1  }
0xb7: {  	s26 =	simm.s32 $execute0_lowered;
	[smem:$0x3FD2] =	sst s25  }
0xb8: {  	s9 =	sshll.u32 s26, $0x1;
	_ =	strace $0x80000049;
	[dreg:$0x1] =	wrdreg $0xFFFFFFFF  }
0xb9: {  	s28 =	simm.s32 $_size_execute0_lowered;
	s7 =	sadd.s32 s7, s9;
	[dreg:$0x0] =	wrdreg $0x0  }
0xba: {  	s9 =	sshll.u32 s28, $0x1;
	[dreg:$0x2] =	wrdreg s7  }
0xbb: {  	[dreg:$0x3] =	wrdreg s9  }
0xbc: {  	[dreg:$0x4] =	wrdreg $0xC0  }
0xbd: {  	_ =	task [dreg:s22], $0x5FFFF  }
0xbe: {  	[dreg:$0x1] =	wrdreg $0xFFFFFFFF  }
0xbf: {  	[dreg:$0x0] =	wrdreg $0x60  }
0xc0: {  	[dreg:$0x2] =	wrdreg s18  }
0xc1: {  	[dreg:$0x3] =	wrdreg s4  }
0xc2: {  	[dreg:$0x4] =	wrdreg s5  }
0xc3: {  	[dreg:$0x5] =	wrdreg s6  }
0xc4: {  	[dreg:$0x6] =	wrdreg s24  }
0xc5: {  	[dreg:$0x7] =	wrdreg $0xA  }
0xc6: {  	_ =	task.clear_ibuf [dreg:s22], $0x8FFFF;
	_ =	strace $0x90000049  }
0xc7: {  	s29 =	simm.s32 $0xA;
	_ =	strace $0x8000004B  }
0xc8: {  	_ =	swait.ge [sflag:s29], $0x1  }
0xc9: {  	[sflag:s29] =	ssyncadd.s32 $0xFFFFFFFF  }
0xca: {  	_ =	strace $0x9000004B  }
0xcb: {  	_ =	sfence  }
0xcc: {  	s30 =	sld [smem:$0x0];
	_ =	sdelay $0x2  }
0xcd: {  	s31 =	sshll.u32 s1, $0xD;
	s1 =	sshrl.u32 s1, $0x2  }
0xce: {  	s4 =	sand.u32 $0x4000, s31;
	s1 =	sadd.s32 s1, s30  }
0xcf: {  	s0 =	sor.u32 s4, s0;
	s1 =	sshll.u32 s1, $0x11  }
0xd0: {  	s0 =	sor.u32 s1, s0  }
0xd1: {  	s0 =	sadd.s32 $0x8F2B, s0  }
0xd2: {  	[sflag:s0] =	ssyncadd.remote.s32 $0x1  }
0xd3: {  	_ =	sfence.sel $0xFFFF  }
0xd4: {  	[dreg:$0x0] =	wrdreg $0xFFFFFFFF;
	(pc) =	sbr.abs _section_cstart, $3  }
0xd5: {  	[dreg:$0x1] =	wrdreg $0xFFFFFFFF  }
0xd6: {  	_ =	task.clear_ibuf [dreg:s22], $0x2FFFF;
	_ =	strace $0x9FFFFFFF  }
0xd7: {  	(tm) =	ssettm $0x7FFFFFFF  }
tec
execute0_lowered:
.L_overlay_start_1:
0x0: {  	(tag) =	ssettag $0x1  }
0x1: {  	s5 =	rddreg [dreg:$0x0]  }
0x2: {  	s6 =	rddreg [dreg:$0x1]  }
0x3: {  	s2 =	srdreg.scid;
	s0 =	stileid.u32  }
0x4: {  	s1 =	rddreg [dreg:$0x2];
	s25 =	sand.u32 $0x1, s2;
	s31 =	sshll.u32 s0, $0x1  }
0x5: {  	s3 =	rddreg [dreg:$0x3];
	s16 =	sor.u32 s25, s31  }
0x6: {  	s20 =	rddreg [dreg:$0x4];
	s4 =	simm.s32 $0x0;
	s7 =	sshll.u32 s16, $0x5  }
0x7: {  	[smem:$0x7FF] =	sst s4;
	s7 =	sor.u32 $0x400, s7  }
0x8: {  	s2 =	rddreg [dreg:$0x5];
	_ =	strace $0x8000004A;
	s5 =	sadd.s32 s5, s7  }
0x9: {  	[tilespmem:s4], [sflag:$0x9] =	stream.linear.gather [hbm4b:s5+s4], $0x100, $0x38;
	[tilespmem:$0x10200] =	vst v63  }
0xa: {  	s8 =	simm.s32 $0x9;
	s6 =	sadd.s32 s6, s7;
	s7 =	simm.s32 $0x100  }
0xb: {  	[tilespmem:s7], [sflag:$0x9] =	stream.linear.gather [hbm4b:s6+s4], $0x100, $0x38;
	[tilespmem:$0x10200] =	vst v63  }
0xc: {  	_ =	swait.ge [sflag:s8], $0x100  }
0xd: {  	[sflag:s8] =	ssyncset.done $0x0  }
0xe: {  	[sflag:s8] =	ssyncadd.s32 $0xFFFFFF00  }
0xf: {  	_ =	swait.ge [sflag:s8], $0x100  }
0x10: {  	[sflag:s8] =	ssyncset.done $0x0  }
0x11: {  	s9 =	simm.s32 $0x80;
	s10 =	simm.s32 $0x200;
	[sflag:s8] =	ssyncadd.s32 $0xFFFFFF00  }
0x12: {  	[tilespmem:s10], [sflag:$0x1] =	stream.indirect.gather [hbm4b:s1+s9], $0x80, s4, s9, $0xb8;
	[tilespmem:$0x10200] =	vst v63  }
0x13: {  	s11 =	simm.s32 $0x4200  }
0x14: {  	[tilespmem:s11], [sflag:$0x2] =	stream.indirect.gather [hbm4b:s1+s9], $0x80, s9, s9, $0xb8;
	[tilespmem:$0x10200] =	vst v63  }
0x15: {  	s12 =	simm.s32 $0x8200  }
0x16: {  	[tilespmem:s12], [sflag:$0x3] =	stream.indirect.gather [hbm4b:s3+s9], $0x80, s7, s9, $0xb8;
	[tilespmem:$0x10200] =	vst v63  }
0x17: {  	s13 =	simm.s32 $0x180;
	s14 =	simm.s32 $0xC200;
	s15 =	simm.s32 $0x1  }
0x18: {  	[tilespmem:s14], [sflag:$0x4] =	stream.indirect.gather [hbm4b:s3+s9], $0x80, s13, s9, $0xb8;
	[tilespmem:$0x10200] =	vst v63  }
0x19: {  	_ =	swait.ge [sflag:s15], $0x4000  }
0x1a: {  	s18 =	sadd.s32 $0x2400, s20;
	s21 =	sshll.u32 s16, $0xC;
	[sflag:s15] =	ssyncset.done $0x0  }
0x1b: {  	s17 =	simm.s32 $0x2;
	s16 =	sadd.s32 s18, s21;
	[sflag:s15] =	ssyncadd.s32 $0xFFFFC000  }
0x1c: {  	[hbm4b:s16+s4] =	stream.linear.scatter [tilespmem:s10], [sflag:$0x5], $0x4000, $0x38;
	[tilespmem:$0x10200] =	vst v63  }
0x1d: {  	_ =	swait.ge [sflag:s17], $0x4000  }
0x1e: {  	s22 =	sor.u32 $0x800, s21;
	[sflag:s17] =	ssyncset.done $0x0  }
0x1f: {  	s19 =	simm.s32 $0x3;
	s18 =	sadd.s32 s18, s22;
	[sflag:s17] =	ssyncadd.s32 $0xFFFFC000  }
0x20: {  	[hbm4b:s18+s4] =	stream.linear.scatter [tilespmem:s11], [sflag:$0x6], $0x4000, $0x38;
	[tilespmem:$0x10200] =	vst v63  }
0x21: {  	_ =	swait.ge [sflag:s19], $0x4000  }
0x22: {  	s23 =	sadd.s32 $0x22400, s20;
	[sflag:s19] =	ssyncset.done $0x0  }
0x23: {  	s20 =	sadd.s32 s23, s21;
	s21 =	simm.s32 $0x4;
	[sflag:s19] =	ssyncadd.s32 $0xFFFFC000  }
0x24: {  	[hbm4b:s20+s4] =	stream.linear.scatter [tilespmem:s12], [sflag:$0x7], $0x4000, $0x38;
	[tilespmem:$0x10200] =	vst v63  }
0x25: {  	_ =	swait.ge [sflag:s21], $0x4000  }
0x26: {  	[sflag:s21] =	ssyncset.done $0x0  }
0x27: {  	s22 =	sadd.s32 s23, s22;
	s23 =	simm.s32 $0x5;
	[sflag:s21] =	ssyncadd.s32 $0xFFFFC000  }
0x28: {  	[hbm4b:s22+s4] =	stream.linear.scatter [tilespmem:s14], [sflag:$0x8], $0x4000, $0x38;
	[tilespmem:$0x10200] =	vst v63  }
0x29: {  	_ =	swait.ge [sflag:s23], $0x4000  }
0x2a: {  	s26 =	ssub.s32 $0x2, s25;
	[sflag:s23] =	ssyncset.done $0x0  }
0x2b: {  	s24 =	simm.s32 $0x6;
	s28 =	sshrl.u32 s26, $0x1;
	[sflag:s23] =	ssyncadd.s32 $0xFFFFC000  }
0x2c: {  	s26 =	ssub.s32 s26, s28;
	_ =	swait.ge [sflag:s24], $0x4000  }
0x2d: {  	s28 =	smax.u32 s26, $0x1;
	[sflag:s24] =	ssyncset.done $0x0  }
0x2e: {  	s25 =	simm.s32 $0x7;
	p0 =	sne.s32 s28, $0x1;
	[sflag:s24] =	ssyncadd.s32 $0xFFFFC000  }
.Ltmp0:
0x2f: {  	_ =	swait.ge [sflag:s25], $0x4000;
	(pc) =	sbr.rel @!p0 .LBB2_2-.Ltmp0, $4  }
0x30: {  	[sflag:s25] =	ssyncset.done $0x0  }
0x31: {  	s26 =	simm.s32 $0x8;
	[sflag:s25] =	ssyncadd.s32 $0xFFFFC000  }
0x32: {  	_ =	swait.ge [sflag:s26], $0x4000  }
0x33: {  	s28 =	sadd.s32 $0xFFFFFFFF, s28;
	[sflag:s26] =	ssyncset.done $0x0  }
.LBB2_1:
0x34: {  	p0 =	sne.s32 s28, $0x1;
	s28 =	sadd.s32 $0xFFFFFFFF, s28;
	[sflag:s26] =	ssyncadd.s32 $0xFFFFC000  }
0x35: {  	[tilespmem:s4], [sflag:$0x9] =	stream.linear.gather [hbm4b:s5+s4], $0x100, $0x38;
	[tilespmem:$0x10200] =	vst v63  }
0x36: {  	_ = 	snop  }
0x37: {  	[tilespmem:s7], [sflag:$0x9] =	stream.linear.gather [hbm4b:s6+s4], $0x100, $0x38;
	[tilespmem:$0x10200] =	vst v63  }
0x38: {  	_ =	swait.ge [sflag:s8], $0x100  }
0x39: {  	[sflag:s8] =	ssyncset.done $0x0  }
0x3a: {  	[sflag:s8] =	ssyncadd.s32 $0xFFFFFF00  }
0x3b: {  	_ =	swait.ge [sflag:s8], $0x100  }
0x3c: {  	[sflag:s8] =	ssyncset.done $0x0  }
0x3d: {  	[sflag:s8] =	ssyncadd.s32 $0xFFFFFF00  }
0x3e: {  	[tilespmem:s10], [sflag:$0x1] =	stream.indirect.gather [hbm4b:s1+s9], $0x80, s4, s9, $0xb8;
	[tilespmem:$0x10200] =	vst v63  }
0x3f: {  	_ = 	snop  }
0x40: {  	[tilespmem:s11], [sflag:$0x2] =	stream.indirect.gather [hbm4b:s1+s9], $0x80, s9, s9, $0xb8;
	[tilespmem:$0x10200] =	vst v63  }
0x41: {  	_ = 	snop  }
0x42: {  	[tilespmem:s12], [sflag:$0x3] =	stream.indirect.gather [hbm4b:s3+s9], $0x80, s7, s9, $0xb8;
	[tilespmem:$0x10200] =	vst v63  }
0x43: {  	_ = 	snop  }
0x44: {  	[tilespmem:s14], [sflag:$0x4] =	stream.indirect.gather [hbm4b:s3+s9], $0x80, s13, s9, $0xb8;
	[tilespmem:$0x10200] =	vst v63  }
0x45: {  	_ =	swait.ge [sflag:s15], $0x4000  }
0x46: {  	[sflag:s15] =	ssyncset.done $0x0  }
0x47: {  	[sflag:s15] =	ssyncadd.s32 $0xFFFFC000  }
0x48: {  	[hbm4b:s16+s4] =	stream.linear.scatter [tilespmem:s10], [sflag:$0x5], $0x4000, $0x38;
	[tilespmem:$0x10200] =	vst v63  }
0x49: {  	_ =	swait.ge [sflag:s17], $0x4000  }
0x4a: {  	[sflag:s17] =	ssyncset.done $0x0  }
0x4b: {  	[sflag:s17] =	ssyncadd.s32 $0xFFFFC000  }
0x4c: {  	[hbm4b:s18+s4] =	stream.linear.scatter [tilespmem:s11], [sflag:$0x6], $0x4000, $0x38;
	[tilespmem:$0x10200] =	vst v63  }
0x4d: {  	_ =	swait.ge [sflag:s19], $0x4000  }
0x4e: {  	[sflag:s19] =	ssyncset.done $0x0  }
0x4f: {  	[sflag:s19] =	ssyncadd.s32 $0xFFFFC000  }
0x50: {  	[hbm4b:s20+s4] =	stream.linear.scatter [tilespmem:s12], [sflag:$0x7], $0x4000, $0x38;
	[tilespmem:$0x10200] =	vst v63  }
0x51: {  	_ =	swait.ge [sflag:s21], $0x4000  }
0x52: {  	[sflag:s21] =	ssyncset.done $0x0  }
0x53: {  	[sflag:s21] =	ssyncadd.s32 $0xFFFFC000  }
0x54: {  	[hbm4b:s22+s4] =	stream.linear.scatter [tilespmem:s14], [sflag:$0x8], $0x4000, $0x38;
	[tilespmem:$0x10200] =	vst v63  }
0x55: {  	_ =	swait.ge [sflag:s23], $0x4000  }
0x56: {  	[sflag:s23] =	ssyncset.done $0x0  }
0x57: {  	[sflag:s23] =	ssyncadd.s32 $0xFFFFC000  }
0x58: {  	_ =	swait.ge [sflag:s24], $0x4000  }
0x59: {  	[sflag:s24] =	ssyncset.done $0x0  }
0x5a: {  	[sflag:s24] =	ssyncadd.s32 $0xFFFFC000  }
.Ltmp1:
0x5b: {  	_ =	swait.ge [sflag:s25], $0x4000;
	(pc) =	sbr.rel @p0 .LBB2_1-.Ltmp1, $4  }
0x5c: {  	[sflag:s25] =	ssyncset.done $0x0  }
0x5d: {  	[sflag:s25] =	ssyncadd.s32 $0xFFFFC000  }
0x5e: {  	_ =	swait.ge [sflag:s26], $0x4000  }
0x5f: {  	[sflag:s26] =	ssyncset.done $0x0  }
.LBB2_2:
0x60: {  	[sflag:s26] =	ssyncadd.s32 $0xFFFFC000  }
0x61: {  	_ =	sfence.sel $0x180000  }
0x62: {  	[bflag:$0x0] =	sbarrier.arrive $0xFFFF  }
0x63: {  	p0 =	sne.s32 s0, $0x0;
	_ =	strace $0x9000004A  }
0x64: {  	s0 =	sadd.s32 @!p0 $0x100000, s2;
	[bflag:$0x2] =	sbarrier.arrive $0xFFFF  }
0x65: {  	[sflag:s0] =	ssyncadd.tile.s32 @!p0 $0x1;
	_ =	shalt  }
.Lfunc_end2:
_tile_overlayer_lowered:
.L_overlay_start_2:
0x66: {  	(tag) =	ssettag $0x2  }
0x67: {  	s0 =	rddreg [dreg:$0x0];
	s2 =	stileid.u32  }
0x68: {  	s1 =	rddreg [dreg:$0x1];
	p0 =	sne.s32 s2, $0x0  }
0x69: {  	s3 =	rddreg [dreg:$0x2];
	[bflag:$0x3] =	sbarrier.arrive $0xFFFF;
	s2 =	simm.s32 @!p0 $0x1C0A  }
0x6a: {  	[timem:s3], [sflag:s2] =	dma.local @!p0 [hbm:s0], s1  }
0x6b: {  	s0 =	simm.s32 @!p0 $0xA  }
0x6c: {  	_ =	swait.ge @!p0 [sflag:s0], s1  }
0x6d: {  	s1 =	ssub.s32 @!p0 $0x0, s1;
	[sflag:s0] =	ssyncset.done @!p0 $0x0  }
0x6e: {  	[sflag:s0] =	ssyncadd.s32 @!p0 s1  }
0x6f: {  	[bflag:$0x3] =	sbarrier.arrive $0xFFFF  }
0x70: {  	_ =	shalt  }

</sc_bundles>
